<compile_context>
chip_gen: v7x
topology: tpu7x:2x2x1
jax: 0.10.2.dev20260603
libtpu: 0.0.44.dev20260713+nightly
codegen_flags: <defaults>
</compile_context>

<pallas_src>
import functools

import jax
import jax.numpy as jnp
from jax import lax
from jax.experimental import pallas as pl
from jax.experimental.pallas import tpu as pltpu
from jax.experimental.pallas import tpu_sc as plsc


def _table_body(s, emb_ref, w_ref, b_ref, t_ref):
    t_ref[...] = (
        jnp.sum(emb_ref[...] * w_ref[...], axis=1, keepdims=True) + b_ref[0]
    ) * (1.0 / s)


@functools.lru_cache(maxsize=None)
def _make_table_kernel(v_dim, d_dim, s_len):
    return pl.pallas_call(
        functools.partial(_table_body, s_len),
        out_shape=jax.ShapeDtypeStruct((v_dim, 1), jnp.float32),
        in_specs=[
            pl.BlockSpec(memory_space=pltpu.VMEM),
            pl.BlockSpec(memory_space=pltpu.VMEM),
            pl.BlockSpec(memory_space=pltpu.SMEM),
        ],
        out_specs=pl.BlockSpec(memory_space=pltpu.VMEM),
    )


@functools.lru_cache(maxsize=None)
def _make_sc_kernel(b_rows, s_len, v_dim):
    info = plsc.get_sparse_core_info()
    nc, ns, lanes = info.num_cores, info.num_subcores, info.num_lanes
    nw = nc * ns
    rows_per_w = b_rows // nw
    group = lanes
    chunk = 8 * group
    n_chunks = rows_per_w // chunk
    gpc = chunk // group

    mesh = plsc.VectorSubcoreMesh(core_axis_name="c", subcore_axis_name="s")

    @functools.partial(
        pl.kernel,
        mesh=mesh,
        out_type=jax.ShapeDtypeStruct((b_rows,), jnp.float32),
        scratch_types=[
            pltpu.VMEM((chunk, s_len), jnp.int32),
            pltpu.VMEM((chunk, s_len), jnp.int32),
            pltpu.VMEM((v_dim,), jnp.float32),
            pltpu.VMEM((rows_per_w,), jnp.float32),
            pltpu.SemaphoreType.DMA,
            pltpu.SemaphoreType.DMA,
        ],
        compiler_params=pltpu.CompilerParams(needs_layout_passes=False),
    )
    def sc_kernel(x_hbm, t_hbm, out_hbm, xb0, xb1, t_v, o_v, sem0, sem1):
        wid = lax.axis_index("s") * nc + lax.axis_index("c")
        row0 = wid * rows_per_w
        lane_iota = lax.iota(jnp.int32, lanes)
        zero = jnp.zeros((lanes,), jnp.float32)

        def start(c, buf, sem):
            @pl.when(c < n_chunks)
            def _():
                pltpu.async_copy(
                    x_hbm.at[pl.ds(row0 + c * chunk, chunk), :], buf, sem
                )

        def wait(buf, sem):
            pltpu.make_async_copy(
                x_hbm.at[pl.ds(0, chunk), :], buf, sem
            ).wait()

        n_full = s_len // lanes
        rem2 = s_len % lanes
        idx_mask = lane_iota >= (lanes - rem2)
        fmask = idx_mask.astype(jnp.float32)

        def compute(c, buf):
            def do_group(g, carry):
                base = g * group

                def row_quad(q, vec):
                    for jj in range(4):
                        j = 4 * q + jj
                        r = base + j
                        acc_a = zero
                        acc_b = zero
                        for k in range(0, n_full - 1, 2):
                            xi = buf[r, pl.ds(k * lanes, lanes)]
                            acc_a = acc_a + plsc.load_gather(t_v, [xi])
                            xi = buf[r, pl.ds((k + 1) * lanes, lanes)]
                            acc_b = acc_b + plsc.load_gather(t_v, [xi])
                        for k in range(n_full - (n_full % 2), n_full):
                            xi = buf[r, pl.ds(k * lanes, lanes)]
                            acc_a = acc_a + plsc.load_gather(t_v, [xi])
                        if rem2:
                            xi = buf[r, pl.ds(s_len - lanes, lanes)]
                            xi = jnp.where(idx_mask, xi, 0)
                            tv = plsc.load_gather(t_v, [xi])
                            acc_b = acc_b + tv * fmask
                        rowsum = jnp.sum(acc_a + acc_b)
                        vec = jnp.where(lane_iota == j, rowsum, vec)
                    return vec

                vec = lax.fori_loop(0, group // 4, row_quad, zero)
                res = 1.0 / (1.0 + jnp.exp(-vec))
                o_v[pl.ds(c * chunk + base, lanes)] = res
                return carry

            lax.fori_loop(0, gpc, do_group, 0)

        start(0, xb0, sem0)
        pltpu.sync_copy(t_hbm, t_v)
        start(1, xb1, sem1)

        def outer(i, carry):
            c0 = 2 * i
            wait(xb0, sem0)
            compute(c0, xb0)
            start(c0 + 2, xb0, sem0)
            wait(xb1, sem1)
            compute(c0 + 1, xb1)
            start(c0 + 3, xb1, sem1)
            return carry

        lax.fori_loop(0, n_chunks // 2, outer, 0)
        pltpu.sync_copy(o_v, out_hbm.at[pl.ds(row0, rows_per_w)])

    return sc_kernel


def kernel(x, emb, W, b):
    b_rows, s_len = x.shape
    v_dim, d_dim = emb.shape
    t = _make_table_kernel(v_dim, d_dim, s_len)(emb, W, b)
    out = _make_sc_kernel(b_rows, s_len, v_dim)(x, t.reshape(-1))
    return out.reshape(b_rows, 1)

# --- scband reference (transcript-rebuilt; emitter-appended) ---
"""Pipeline reference for scband-nlp-34454227648819 (READ-ONLY COPY).

The authoritative reference and input builder live on the scoring server;
editing this copy changes nothing except your own understanding.
"""

import jax, jax.numpy as jnp
import numpy as np

B, S, V, D = 16384, 200, 1000, 128

def setup_inputs(seed: int = 0):
    key = jax.random.key(seed)
    k1, k2, k3 = jax.random.split(key, 3)
    x = jax.random.randint(k1, (B, S), 0, 900, dtype=jnp.int32)
    emb = jax.random.normal(k2, (V, D), dtype=jnp.float32) * 0.02
    W = jax.random.normal(k3, (1, D), dtype=jnp.float32) * 0.05
    b = jnp.zeros((1,), dtype=jnp.float32)
    return {"x": x, "emb": emb, "W": W, "b": b}

def reference(x, emb, W, b):
    # nn.Embedding lookup: [B, S] -> [B, S, D]
    e = jnp.take(emb, x, axis=0)
    # transpose(1,2) + AvgPool1d(S) + squeeze == mean over sequence axis -> [B, D]
    p = jnp.mean(e, axis=1)
    # Linear(D, 1) + sigmoid -> [B, 1]
    out = jax.nn.sigmoid(p @ W.T + b)
    return out

if __name__ == "__main__":
    import jax
    _d = setup_inputs()
    print(jax.jit(kernel)(*tuple(_d.values())))

</pallas_src>

<mosaic_0001>
#map = affine_map<(d0, d1) -> (0, 0)>
#map1 = affine_map<(d0, d1) -> (0)>
module attributes {stable_mosaic.version = 14 : i64} {
  func.func @sc_kernel(%arg0: i32, %arg1: i32, %arg2: memref<16384x200xi32, #tpu.memory_space<hbm>>, %arg3: memref<1000xf32, #tpu.memory_space<hbm>>, %arg4: memref<16384xf32, #tpu.memory_space<hbm>>, %arg5: memref<128x200xi32, #tpu.memory_space<vmem>>, %arg6: memref<128x200xi32, #tpu.memory_space<vmem>>, %arg7: memref<1000xf32, #tpu.memory_space<vmem>>, %arg8: memref<512xf32, #tpu.memory_space<vmem>>, %arg9: memref<!tpu.dma_semaphore, #tpu.memory_space<semaphore_mem>>, %arg10: memref<!tpu.dma_semaphore, #tpu.memory_space<semaphore_mem>>) attributes {dimension_semantics = [#tpu.dimension_semantics<core_parallel>, #tpu.dimension_semantics<subcore_parallel>], iteration_bounds = array<i64: 2, 16>, scalar_prefetch = 0 : i64, scratch_operands = 6 : i64, tpu.core_type = #tpu.core_type<sc_vector_subcore>, window_params = [{transform_indices = #map}, {transform_indices = #map1}, {transform_indices = #map1}]} {
    %mul3A = arith.constant 2 : i32
    %mul3A_0 = arith.muli %arg1, %mul3A : i32
    %add3A = arith.addi %mul3A_0, %arg0 : i32
    %mul3A_1 = arith.constant 512 : i32
    %mul3A_2 = arith.muli %add3A, %mul3A_1 : i32
    %iota3A = tpu.iota {dimensions = array<i32: 0>} : vector<16xi32>
    %broadcast_in_dim3A = arith.constant 0.000000e+00 : f32
    %broadcast_in_dim3A_3 = vector.broadcast %broadcast_in_dim3A : f32 to vector<16xf32>
    %ge3A = arith.constant 8 : i32
    %ge3A_4 = vector.broadcast %ge3A : i32 to vector<16xi32>
    %ge3A_5 = arith.cmpi sge, %iota3A, %ge3A_4 : vector<16xi32>
    %convert_element_type3A = arith.extui %ge3A_5 : vector<16xi1> to vector<16xi32>
    %convert_element_type3A_6 = arith.sitofp %convert_element_type3A : vector<16xi32> to vector<16xf32>
    %add3A_7 = arith.constant 0 : i32
    %add3A_8 = arith.addi %mul3A_2, %add3A_7 : i32
    %dma_start3A = arith.constant 0 : i32
    %dma_start3A_9 = tpu.memref_slice %arg2[%add3A_8, %dma_start3A] : memref<16384x200xi32, #tpu.memory_space<hbm>> -> memref<128x200xi32, #tpu.memory_space<hbm>>
    %dma_start3A_10 = arith.constant 0 : i32
    %dma_start3A_11 = tpu.memref_slice %arg2[%add3A_8, %dma_start3A_10] : memref<16384x200xi32, #tpu.memory_space<hbm>> -> memref<128x200xi32, #tpu.memory_space<hbm>>
    tpu.enqueue_dma source(%dma_start3A_11 : memref<128x200xi32, #tpu.memory_space<hbm>>) target(%arg5 : memref<128x200xi32, #tpu.memory_space<vmem>>) target_semaphore(%arg9 : memref<!tpu.dma_semaphore, #tpu.memory_space<semaphore_mem>>)
    "tpu.region"() ({
      %run_scoped3A = tpu.sem_alloc : memref<!tpu.dma_semaphore, #tpu.memory_space<semaphore_mem>>
      tpu.enqueue_dma source(%arg3 : memref<1000xf32, #tpu.memory_space<hbm>>) target(%arg7 : memref<1000xf32, #tpu.memory_space<vmem>>) target_semaphore(%run_scoped3A : memref<!tpu.dma_semaphore, #tpu.memory_space<semaphore_mem>>)
      tpu.wait_dma2 semaphore(%run_scoped3A : memref<!tpu.dma_semaphore, #tpu.memory_space<semaphore_mem>>) src(%arg3 : memref<1000xf32, #tpu.memory_space<hbm>>) dst(%arg7 : memref<1000xf32, #tpu.memory_space<vmem>>)
      tpu.yield
    }) : () -> ()
    %add3A_12 = arith.constant 128 : i32
    %add3A_13 = arith.addi %mul3A_2, %add3A_12 : i32
    %dma_start3A_14 = arith.constant 0 : i32
    %dma_start3A_15 = tpu.memref_slice %arg2[%add3A_13, %dma_start3A_14] : memref<16384x200xi32, #tpu.memory_space<hbm>> -> memref<128x200xi32, #tpu.memory_space<hbm>>
    %dma_start3A_16 = arith.constant 0 : i32
    %dma_start3A_17 = tpu.memref_slice %arg2[%add3A_13, %dma_start3A_16] : memref<16384x200xi32, #tpu.memory_space<hbm>> -> memref<128x200xi32, #tpu.memory_space<hbm>>
    tpu.enqueue_dma source(%dma_start3A_17 : memref<128x200xi32, #tpu.memory_space<hbm>>) target(%arg6 : memref<128x200xi32, #tpu.memory_space<vmem>>) target_semaphore(%arg10 : memref<!tpu.dma_semaphore, #tpu.memory_space<semaphore_mem>>)
    %scan3A = arith.constant 0 : i32
    %scan3A_18 = arith.constant 0 : i32
    %scan3A_19 = arith.constant 2 : i32
    %scan3A_20 = arith.addi %scan3A_18, %scan3A_19 : i32
    %scan3A_21 = arith.constant 1 : i32
    scf.for %scan3A_23 = %scan3A_18 to %scan3A_20 step %scan3A_21  : i32 {
      %mul3A_24 = arith.constant 2 : i32
      %mul3A_25 = arith.muli %mul3A_24, %scan3A_23 : i32
      %dma_wait3A = arith.constant 0 : i32
      %dma_wait3A_26 = arith.constant 0 : i32
      %dma_wait3A_27 = tpu.memref_slice %arg2[%dma_wait3A, %dma_wait3A_26] : memref<16384x200xi32, #tpu.memory_space<hbm>> -> memref<128x200xi32, #tpu.memory_space<hbm>>
      %dma_wait3A_28 = arith.constant 0 : i32
      %dma_wait3A_29 = arith.constant 0 : i32
      %dma_wait3A_30 = tpu.memref_slice %arg2[%dma_wait3A_28, %dma_wait3A_29] : memref<16384x200xi32, #tpu.memory_space<hbm>> -> memref<128x200xi32, #tpu.memory_space<hbm>>
      tpu.wait_dma2 semaphore(%arg9 : memref<!tpu.dma_semaphore, #tpu.memory_space<semaphore_mem>>) src(%dma_wait3A_30 : memref<128x200xi32, #tpu.memory_space<hbm>>) dst(%arg5 : memref<128x200xi32, #tpu.memory_space<vmem>>)
      %scan3A_31 = arith.constant 0 : i32
      %scan3A_32 = arith.constant 0 : i32
      %scan3A_33 = arith.constant 8 : i32
      %scan3A_34 = arith.addi %scan3A_32, %scan3A_33 : i32
      %scan3A_35 = arith.constant 1 : i32
      scf.for %scan3A_63 = %scan3A_32 to %scan3A_34 step %scan3A_35  : i32 {
        %mul3A_64 = arith.constant 16 : i32
        %mul3A_65 = arith.muli %scan3A_63, %mul3A_64 : i32
        %scan3A_66 = arith.constant 0 : i32
        %scan3A_67 = arith.constant 4 : i32
        %scan3A_68 = arith.addi %scan3A_66, %scan3A_67 : i32
        %scan3A_69 = arith.constant 1 : i32
        %scan3A_70 = scf.for %scan3A_83 = %scan3A_66 to %scan3A_68 step %scan3A_69 iter_args(%scan3A_84 = %broadcast_in_dim3A_3) -> (vector<16xf32>)  : i32 {
          %mul3A_85 = arith.constant 4 : i32
          %mul3A_86 = arith.muli %mul3A_85, %scan3A_83 : i32
          %add3A_87 = arith.constant 0 : i32
          %add3A_88 = arith.addi %mul3A_86, %add3A_87 : i32
          %add3A_89 = arith.addi %mul3A_65, %add3A_88 : i32
          %get3A = arith.index_cast %add3A_89 : i32 to index
          %get3A_90 = arith.constant 0 : index
          %get3A_91 = tpu.vector_load %arg5[%get3A, %get3A_90] {strides = array<i32>} : memref<128x200xi32, #tpu.memory_space<vmem>>, vector<16xi32>,
          %gather3A = tpu.vector_load_idx %arg7[%get3A_91] : memref<1000xf32, #tpu.memory_space<vmem>>[vector<16xi32>], vector<16xf32>,
          %add3A_92 = arith.addf %broadcast_in_dim3A_3, %gather3A : vector<16xf32>
          %get3A_93 = arith.index_cast %add3A_89 : i32 to index
          %get3A_94 = arith.constant 16 : index
          %get3A_95 = tpu.vector_load %arg5[%get3A_93, %get3A_94] {strides = array<i32>} : memref<128x200xi32, #tpu.memory_space<vmem>>, vector<16xi32>,
          %gather3A_96 = tpu.vector_load_idx %arg7[%get3A_95] : memref<1000xf32, #tpu.memory_space<vmem>>[vector<16xi32>], vector<16xf32>,
          %add3A_97 = arith.addf %broadcast_in_dim3A_3, %gather3A_96 : vector<16xf32>
          %get3A_98 = arith.index_cast %add3A_89 : i32 to index
          %get3A_99 = arith.constant 32 : index
          %get3A_100 = tpu.vector_load %arg5[%get3A_98, %get3A_99] {strides = array<i32>} : memref<128x200xi32, #tpu.memory_space<vmem>>, vector<16xi32>,
          %gather3A_101 = tpu.vector_load_idx %arg7[%get3A_100] : memref<1000xf32, #tpu.memory_space<vmem>>[vector<16xi32>], vector<16xf32>,
          %add3A_102 = arith.addf %add3A_92, %gather3A_101 : vector<16xf32>
          %get3A_103 = arith.index_cast %add3A_89 : i32 to index
          %get3A_104 = arith.constant 48 : index
          %get3A_105 = tpu.vector_load %arg5[%get3A_103, %get3A_104] {strides = array<i32>} : memref<128x200xi32, #tpu.memory_space<vmem>>, vector<16xi32>,
          %gather3A_106 = tpu.vector_load_idx %arg7[%get3A_105] : memref<1000xf32, #tpu.memory_space<vmem>>[vector<16xi32>], vector<16xf32>,
          %add3A_107 = arith.addf %add3A_97, %gather3A_106 : vector<16xf32>
          %get3A_108 = arith.index_cast %add3A_89 : i32 to index
          %get3A_109 = arith.constant 64 : index
          %get3A_110 = tpu.vector_load %arg5[%get3A_108, %get3A_109] {strides = array<i32>} : memref<128x200xi32, #tpu.memory_space<vmem>>, vector<16xi32>,
          %gather3A_111 = tpu.vector_load_idx %arg7[%get3A_110] : memref<1000xf32, #tpu.memory_space<vmem>>[vector<16xi32>], vector<16xf32>,
          %add3A_112 = arith.addf %add3A_102, %gather3A_111 : vector<16xf32>
          %get3A_113 = arith.index_cast %add3A_89 : i32 to index
          %get3A_114 = arith.constant 80 : index
          %get3A_115 = tpu.vector_load %arg5[%get3A_113, %get3A_114] {strides = array<i32>} : memref<128x200xi32, #tpu.memory_space<vmem>>, vector<16xi32>,
          %gather3A_116 = tpu.vector_load_idx %arg7[%get3A_115] : memref<1000xf32, #tpu.memory_space<vmem>>[vector<16xi32>], vector<16xf32>,
          %add3A_117 = arith.addf %add3A_107, %gather3A_116 : vector<16xf32>
          %get3A_118 = arith.index_cast %add3A_89 : i32 to index
          %get3A_119 = arith.constant 96 : index
          %get3A_120 = tpu.vector_load %arg5[%get3A_118, %get3A_119] {strides = array<i32>} : memref<128x200xi32, #tpu.memory_space<vmem>>, vector<16xi32>,
          %gather3A_121 = tpu.vector_load_idx %arg7[%get3A_120] : memref<1000xf32, #tpu.memory_space<vmem>>[vector<16xi32>], vector<16xf32>,
          %add3A_122 = arith.addf %add3A_112, %gather3A_121 : vector<16xf32>
          %get3A_123 = arith.index_cast %add3A_89 : i32 to index
          %get3A_124 = arith.constant 112 : index
          %get3A_125 = tpu.vector_load %arg5[%get3A_123, %get3A_124] {strides = array<i32>} : memref<128x200xi32, #tpu.memory_space<vmem>>, vector<16xi32>,
          %gather3A_126 = tpu.vector_load_idx %arg7[%get3A_125] : memref<1000xf32, #tpu.memory_space<vmem>>[vector<16xi32>], vector<16xf32>,
          %add3A_127 = arith.addf %add3A_117, %gather3A_126 : vector<16xf32>
          %get3A_128 = arith.index_cast %add3A_89 : i32 to index
          %get3A_129 = arith.constant 128 : index
          %get3A_130 = tpu.vector_load %arg5[%get3A_128, %get3A_129] {strides = array<i32>} : memref<128x200xi32, #tpu.memory_space<vmem>>, vector<16xi32>,
          %gather3A_131 = tpu.vector_load_idx %arg7[%get3A_130] : memref<1000xf32, #tpu.memory_space<vmem>>[vector<16xi32>], vector<16xf32>,
          %add3A_132 = arith.addf %add3A_122, %gather3A_131 : vector<16xf32>
          %get3A_133 = arith.index_cast %add3A_89 : i32 to index
          %get3A_134 = arith.constant 144 : index
          %get3A_135 = tpu.vector_load %arg5[%get3A_133, %get3A_134] {strides = array<i32>} : memref<128x200xi32, #tpu.memory_space<vmem>>, vector<16xi32>,
          %gather3A_136 = tpu.vector_load_idx %arg7[%get3A_135] : memref<1000xf32, #tpu.memory_space<vmem>>[vector<16xi32>], vector<16xf32>,
          %add3A_137 = arith.addf %add3A_127, %gather3A_136 : vector<16xf32>
          %get3A_138 = arith.index_cast %add3A_89 : i32 to index
          %get3A_139 = arith.constant 160 : index
          %get3A_140 = tpu.vector_load %arg5[%get3A_138, %get3A_139] {strides = array<i32>} : memref<128x200xi32, #tpu.memory_space<vmem>>, vector<16xi32>,
          %gather3A_141 = tpu.vector_load_idx %arg7[%get3A_140] : memref<1000xf32, #tpu.memory_space<vmem>>[vector<16xi32>], vector<16xf32>,
          %add3A_142 = arith.addf %add3A_132, %gather3A_141 : vector<16xf32>
          %get3A_143 = arith.index_cast %add3A_89 : i32 to index
          %get3A_144 = arith.constant 176 : index
          %get3A_145 = tpu.vector_load %arg5[%get3A_143, %get3A_144] {strides = array<i32>} : memref<128x200xi32, #tpu.memory_space<vmem>>, vector<16xi32>,
          %gather3A_146 = tpu.vector_load_idx %arg7[%get3A_145] : memref<1000xf32, #tpu.memory_space<vmem>>[vector<16xi32>], vector<16xf32>,
          %add3A_147 = arith.addf %add3A_137, %gather3A_146 : vector<16xf32>
          %get3A_148 = arith.index_cast %add3A_89 : i32 to index
          %get3A_149 = arith.constant 184 : index
          %get3A_150 = tpu.vector_load %arg5[%get3A_148, %get3A_149] {strides = array<i32>} : memref<128x200xi32, #tpu.memory_space<vmem>>, vector<16xi32>,
          %jit3A = arith.constant 0 : i32
          %broadcast_in_dim3A_151 = vector.broadcast %jit3A : i32 to vector<16xi32>
          %select_n3A = arith.select %ge3A_5, %get3A_150, %broadcast_in_dim3A_151 : vector<16xi1>, vector<16xi32>
          %gather3A_152 = tpu.vector_load_idx %arg7[%select_n3A] : memref<1000xf32, #tpu.memory_space<vmem>>[vector<16xi32>], vector<16xf32>,
          %mul3A_153 = arith.mulf %gather3A_152, %convert_element_type3A_6 : vector<16xf32>
          %add3A_154 = arith.addf %add3A_147, %mul3A_153 : vector<16xf32>
          %add3A_155 = arith.addf %add3A_142, %add3A_154 : vector<16xf32>
          %reduce_sum3A = arith.constant true
          %reduce_sum3A_156 = vector.broadcast %reduce_sum3A : i1 to vector<16xi1>
          %reduce_sum3A_157 = tpu.scan <sum>, %add3A_155 masked %reduce_sum3A_156 : vector<16xf32>, vector<16xi1> -> vector<16xf32>
          %reduce_sum3A_158 = vector.extract %reduce_sum3A_157[15] : f32 from vector<16xf32>
          %eq3A = vector.broadcast %add3A_88 : i32 to vector<16xi32>
          %eq3A_159 = arith.cmpi eq, %iota3A, %eq3A : vector<16xi32>
          %broadcast_in_dim3A_160 = vector.broadcast %reduce_sum3A_158 : f32 to vector<16xf32>
          %select_n3A_161 = arith.select %eq3A_159, %broadcast_in_dim3A_160, %scan3A_84 : vector<16xi1>, vector<16xf32>
          %mul3A_162 = arith.constant 4 : i32
          %mul3A_163 = arith.muli %mul3A_162, %scan3A_83 : i32
          %add3A_164 = arith.constant 1 : i32
          %add3A_165 = arith.addi %mul3A_163, %add3A_164 : i32
          %add3A_166 = arith.addi %mul3A_65, %add3A_165 : i32
          %get3A_167 = arith.index_cast %add3A_166 : i32 to index
          %get3A_168 = arith.constant 0 : index
          %get3A_169 = tpu.vector_load %arg5[%get3A_167, %get3A_168] {strides = array<i32>} : memref<128x200xi32, #tpu.memory_space<vmem>>, vector<16xi32>,
          %gather3A_170 = tpu.vector_load_idx %arg7[%get3A_169] : memref<1000xf32, #tpu.memory_space<vmem>>[vector<16xi32>], vector<16xf32>,
          %add3A_171 = arith.addf %broadcast_in_dim3A_3, %gather3A_170 : vector<16xf32>
          %get3A_172 = arith.index_cast %add3A_166 : i32 to index
          %get3A_173 = arith.constant 16 : index
          %get3A_174 = tpu.vector_load %arg5[%get3A_172, %get3A_173] {strides = array<i32>} : memref<128x200xi32, #tpu.memory_space<vmem>>, vector<16xi32>,
          %gather3A_175 = tpu.vector_load_idx %arg7[%get3A_174] : memref<1000xf32, #tpu.memory_space<vmem>>[vector<16xi32>], vector<16xf32>,
          %add3A_176 = arith.addf %broadcast_in_dim3A_3, %gather3A_175 : vector<16xf32>
          %get3A_177 = arith.index_cast %add3A_166 : i32 to index
          %get3A_178 = arith.constant 32 : index
          %get3A_179 = tpu.vector_load %arg5[%get3A_177, %get3A_178] {strides = array<i32>} : memref<128x200xi32, #tpu.memory_space<vmem>>, vector<16xi32>,
          %gather3A_180 = tpu.vector_load_idx %arg7[%get3A_179] : memref<1000xf32, #tpu.memory_space<vmem>>[vector<16xi32>], vector<16xf32>,
          %add3A_181 = arith.addf %add3A_171, %gather3A_180 : vector<16xf32>
          %get3A_182 = arith.index_cast %add3A_166 : i32 to index
          %get3A_183 = arith.constant 48 : index
          %get3A_184 = tpu.vector_load %arg5[%get3A_182, %get3A_183] {strides = array<i32>} : memref<128x200xi32, #tpu.memory_space<vmem>>, vector<16xi32>,
          %gather3A_185 = tpu.vector_load_idx %arg7[%get3A_184] : memref<1000xf32, #tpu.memory_space<vmem>>[vector<16xi32>], vector<16xf32>,
          %add3A_186 = arith.addf %add3A_176, %gather3A_185 : vector<16xf32>
          %get3A_187 = arith.index_cast %add3A_166 : i32 to index
          %get3A_188 = arith.constant 64 : index
          %get3A_189 = tpu.vector_load %arg5[%get3A_187, %get3A_188] {strides = array<i32>} : memref<128x200xi32, #tpu.memory_space<vmem>>, vector<16xi32>,
          %gather3A_190 = tpu.vector_load_idx %arg7[%get3A_189] : memref<1000xf32, #tpu.memory_space<vmem>>[vector<16xi32>], vector<16xf32>,
          %add3A_191 = arith.addf %add3A_181, %gather3A_190 : vector<16xf32>
          %get3A_192 = arith.index_cast %add3A_166 : i32 to index
          %get3A_193 = arith.constant 80 : index
          %get3A_194 = tpu.vector_load %arg5[%get3A_192, %get3A_193] {strides = array<i32>} : memref<128x200xi32, #tpu.memory_space<vmem>>, vector<16xi32>,
          %gather3A_195 = tpu.vector_load_idx %arg7[%get3A_194] : memref<1000xf32, #tpu.memory_space<vmem>>[vector<16xi32>], vector<16xf32>,
          %add3A_196 = arith.addf %add3A_186, %gather3A_195 : vector<16xf32>
          %get3A_197 = arith.index_cast %add3A_166 : i32 to index
          %get3A_198 = arith.constant 96 : index
          %get3A_199 = tpu.vector_load %arg5[%get3A_197, %get3A_198] {strides = array<i32>} : memref<128x200xi32, #tpu.memory_space<vmem>>, vector<16xi32>,
          %gather3A_200 = tpu.vector_load_idx %arg7[%get3A_199] : memref<1000xf32, #tpu.memory_space<vmem>>[vector<16xi32>], vector<16xf32>,
          %add3A_201 = arith.addf %add3A_191, %gather3A_200 : vector<16xf32>
          %get3A_202 = arith.index_cast %add3A_166 : i32 to index
          %get3A_203 = arith.constant 112 : index
          %get3A_204 = tpu.vector_load %arg5[%get3A_202, %get3A_203] {strides = array<i32>} : memref<128x200xi32, #tpu.memory_space<vmem>>, vector<16xi32>,
          %gather3A_205 = tpu.vector_load_idx %arg7[%get3A_204] : memref<1000xf32, #tpu.memory_space<vmem>>[vector<16xi32>], vector<16xf32>,
          %add3A_206 = arith.addf %add3A_196, %gather3A_205 : vector<16xf32>
          %get3A_207 = arith.index_cast %add3A_166 : i32 to index
          %get3A_208 = arith.constant 128 : index
          %get3A_209 = tpu.vector_load %arg5[%get3A_207, %get3A_208] {strides = array<i32>} : memref<128x200xi32, #tpu.memory_space<vmem>>, vector<16xi32>,
          %gather3A_210 = tpu.vector_load_idx %arg7[%get3A_209] : memref<1000xf32, #tpu.memory_space<vmem>>[vector<16xi32>], vector<16xf32>,
          %add3A_211 = arith.addf %add3A_201, %gather3A_210 : vector<16xf32>
          %get3A_212 = arith.index_cast %add3A_166 : i32 to index
          %get3A_213 = arith.constant 144 : index
          %get3A_214 = tpu.vector_load %arg5[%get3A_212, %get3A_213] {strides = array<i32>} : memref<128x200xi32, #tpu.memory_space<vmem>>, vector<16xi32>,
          %gather3A_215 = tpu.vector_load_idx %arg7[%get3A_214] : memref<1000xf32, #tpu.memory_space<vmem>>[vector<16xi32>], vector<16xf32>,
          %add3A_216 = arith.addf %add3A_206, %gather3A_215 : vector<16xf32>
          %get3A_217 = arith.index_cast %add3A_166 : i32 to index
          %get3A_218 = arith.constant 160 : index
          %get3A_219 = tpu.vector_load %arg5[%get3A_217, %get3A_218] {strides = array<i32>} : memref<128x200xi32, #tpu.memory_space<vmem>>, vector<16xi32>,
          %gather3A_220 = tpu.vector_load_idx %arg7[%get3A_219] : memref<1000xf32, #tpu.memory_space<vmem>>[vector<16xi32>], vector<16xf32>,
          %add3A_221 = arith.addf %add3A_211, %gather3A_220 : vector<16xf32>
          %get3A_222 = arith.index_cast %add3A_166 : i32 to index
          %get3A_223 = arith.constant 176 : index
          %get3A_224 = tpu.vector_load %arg5[%get3A_222, %get3A_223] {strides = array<i32>} : memref<128x200xi32, #tpu.memory_space<vmem>>, vector<16xi32>,
          %gather3A_225 = tpu.vector_load_idx %arg7[%get3A_224] : memref<1000xf32, #tpu.memory_space<vmem>>[vector<16xi32>], vector<16xf32>,
          %add3A_226 = arith.addf %add3A_216, %gather3A_225 : vector<16xf32>
          %get3A_227 = arith.index_cast %add3A_166 : i32 to index
          %get3A_228 = arith.constant 184 : index
          %get3A_229 = tpu.vector_load %arg5[%get3A_227, %get3A_228] {strides = array<i32>} : memref<128x200xi32, #tpu.memory_space<vmem>>, vector<16xi32>,
          %jit3A_230 = arith.constant 0 : i32
          %broadcast_in_dim3A_231 = vector.broadcast %jit3A_230 : i32 to vector<16xi32>
          %select_n3A_232 = arith.select %ge3A_5, %get3A_229, %broadcast_in_dim3A_231 : vector<16xi1>, vector<16xi32>
          %gather3A_233 = tpu.vector_load_idx %arg7[%select_n3A_232] : memref<1000xf32, #tpu.memory_space<vmem>>[vector<16xi32>], vector<16xf32>,
          %mul3A_234 = arith.mulf %gather3A_233, %convert_element_type3A_6 : vector<16xf32>
          %add3A_235 = arith.addf %add3A_226, %mul3A_234 : vector<16xf32>
          %add3A_236 = arith.addf %add3A_221, %add3A_235 : vector<16xf32>
          %reduce_sum3A_237 = arith.constant true
          %reduce_sum3A_238 = vector.broadcast %reduce_sum3A_237 : i1 to vector<16xi1>
          %reduce_sum3A_239 = tpu.scan <sum>, %add3A_236 masked %reduce_sum3A_238 : vector<16xf32>, vector<16xi1> -> vector<16xf32>
          %reduce_sum3A_240 = vector.extract %reduce_sum3A_239[15] : f32 from vector<16xf32>
          %eq3A_241 = vector.broadcast %add3A_165 : i32 to vector<16xi32>
          %eq3A_242 = arith.cmpi eq, %iota3A, %eq3A_241 : vector<16xi32>
          %broadcast_in_dim3A_243 = vector.broadcast %reduce_sum3A_240 : f32 to vector<16xf32>
          %select_n3A_244 = arith.select %eq3A_242, %broadcast_in_dim3A_243, %select_n3A_161 : vector<16xi1>, vector<16xf32>
          %mul3A_245 = arith.constant 4 : i32
          %mul3A_246 = arith.muli %mul3A_245, %scan3A_83 : i32
          %add3A_247 = arith.constant 2 : i32
          %add3A_248 = arith.addi %mul3A_246, %add3A_247 : i32
          %add3A_249 = arith.addi %mul3A_65, %add3A_248 : i32
          %get3A_250 = arith.index_cast %add3A_249 : i32 to index
          %get3A_251 = arith.constant 0 : index
          %get3A_252 = tpu.vector_load %arg5[%get3A_250, %get3A_251] {strides = array<i32>} : memref<128x200xi32, #tpu.memory_space<vmem>>, vector<16xi32>,
          %gather3A_253 = tpu.vector_load_idx %arg7[%get3A_252] : memref<1000xf32, #tpu.memory_space<vmem>>[vector<16xi32>], vector<16xf32>,
          %add3A_254 = arith.addf %broadcast_in_dim3A_3, %gather3A_253 : vector<16xf32>
          %get3A_255 = arith.index_cast %add3A_249 : i32 to index
          %get3A_256 = arith.constant 16 : index
          %get3A_257 = tpu.vector_load %arg5[%get3A_255, %get3A_256] {strides = array<i32>} : memref<128x200xi32, #tpu.memory_space<vmem>>, vector<16xi32>,
          %gather3A_258 = tpu.vector_load_idx %arg7[%get3A_257] : memref<1000xf32, #tpu.memory_space<vmem>>[vector<16xi32>], vector<16xf32>,
          %add3A_259 = arith.addf %broadcast_in_dim3A_3, %gather3A_258 : vector<16xf32>
          %get3A_260 = arith.index_cast %add3A_249 : i32 to index
          %get3A_261 = arith.constant 32 : index
          %get3A_262 = tpu.vector_load %arg5[%get3A_260, %get3A_261] {strides = array<i32>} : memref<128x200xi32, #tpu.memory_space<vmem>>, vector<16xi32>,
          %gather3A_263 = tpu.vector_load_idx %arg7[%get3A_262] : memref<1000xf32, #tpu.memory_space<vmem>>[vector<16xi32>], vector<16xf32>,
          %add3A_264 = arith.addf %add3A_254, %gather3A_263 : vector<16xf32>
          %get3A_265 = arith.index_cast %add3A_249 : i32 to index
          %get3A_266 = arith.constant 48 : index
          %get3A_267 = tpu.vector_load %arg5[%get3A_265, %get3A_266] {strides = array<i32>} : memref<128x200xi32, #tpu.memory_space<vmem>>, vector<16xi32>,
          %gather3A_268 = tpu.vector_load_idx %arg7[%get3A_267] : memref<1000xf32, #tpu.memory_space<vmem>>[vector<16xi32>], vector<16xf32>,
          %add3A_269 = arith.addf %add3A_259, %gather3A_268 : vector<16xf32>
          %get3A_270 = arith.index_cast %add3A_249 : i32 to index
          %get3A_271 = arith.constant 64 : index
          %get3A_272 = tpu.vector_load %arg5[%get3A_270, %get3A_271] {strides = array<i32>} : memref<128x200xi32, #tpu.memory_space<vmem>>, vector<16xi32>,
          %gather3A_273 = tpu.vector_load_idx %arg7[%get3A_272] : memref<1000xf32, #tpu.memory_space<vmem>>[vector<16xi32>], vector<16xf32>,
          %add3A_274 = arith.addf %add3A_264, %gather3A_273 : vector<16xf32>
          %get3A_275 = arith.index_cast %add3A_249 : i32 to index
          %get3A_276 = arith.constant 80 : index
          %get3A_277 = tpu.vector_load %arg5[%get3A_275, %get3A_276] {strides = array<i32>} : memref<128x200xi32, #tpu.memory_space<vmem>>, vector<16xi32>,
          %gather3A_278 = tpu.vector_load_idx %arg7[%get3A_277] : memref<1000xf32, #tpu.memory_space<vmem>>[vector<16xi32>], vector<16xf32>,
          %add3A_279 = arith.addf %add3A_269, %gather3A_278 : vector<16xf32>
          %get3A_280 = arith.index_cast %add3A_249 : i32 to index
          %get3A_281 = arith.constant 96 : index
          %get3A_282 = tpu.vector_load %arg5[%get3A_280, %get3A_281] {strides = array<i32>} : memref<128x200xi32, #tpu.memory_space<vmem>>, vector<16xi32>,
          %gather3A_283 = tpu.vector_load_idx %arg7[%get3A_282] : memref<1000xf32, #tpu.memory_space<vmem>>[vector<16xi32>], vector<16xf32>,
          %add3A_284 = arith.addf %add3A_274, %gather3A_283 : vector<16xf32>
          %get3A_285 = arith.index_cast %add3A_249 : i32 to index
          %get3A_286 = arith.constant 112 : index
          %get3A_287 = tpu.vector_load %arg5[%get3A_285, %get3A_286] {strides = array<i32>} : memref<128x200xi32, #tpu.memory_space<vmem>>, vector<16xi32>,
          %gather3A_288 = tpu.vector_load_idx %arg7[%get3A_287] : memref<1000xf32, #tpu.memory_space<vmem>>[vector<16xi32>], vector<16xf32>,
          %add3A_289 = arith.addf %add3A_279, %gather3A_288 : vector<16xf32>
          %get3A_290 = arith.index_cast %add3A_249 : i32 to index
          %get3A_291 = arith.constant 128 : index
          %get3A_292 = tpu.vector_load %arg5[%get3A_290, %get3A_291] {strides = array<i32>} : memref<128x200xi32, #tpu.memory_space<vmem>>, vector<16xi32>,
          %gather3A_293 = tpu.vector_load_idx %arg7[%get3A_292] : memref<1000xf32, #tpu.memory_space<vmem>>[vector<16xi32>], vector<16xf32>,
          %add3A_294 = arith.addf %add3A_284, %gather3A_293 : vector<16xf32>
          %get3A_295 = arith.index_cast %add3A_249 : i32 to index
          %get3A_296 = arith.constant 144 : index
          %get3A_297 = tpu.vector_load %arg5[%get3A_295, %get3A_296] {strides = array<i32>} : memref<128x200xi32, #tpu.memory_space<vmem>>, vector<16xi32>,
          %gather3A_298 = tpu.vector_load_idx %arg7[%get3A_297] : memref<1000xf32, #tpu.memory_space<vmem>>[vector<16xi32>], vector<16xf32>,
          %add3A_299 = arith.addf %add3A_289, %gather3A_298 : vector<16xf32>
          %get3A_300 = arith.index_cast %add3A_249 : i32 to index
          %get3A_301 = arith.constant 160 : index
          %get3A_302 = tpu.vector_load %arg5[%get3A_300, %get3A_301] {strides = array<i32>} : memref<128x200xi32, #tpu.memory_space<vmem>>, vector<16xi32>,
          %gather3A_303 = tpu.vector_load_idx %arg7[%get3A_302] : memref<1000xf32, #tpu.memory_space<vmem>>[vector<16xi32>], vector<16xf32>,
          %add3A_304 = arith.addf %add3A_294, %gather3A_303 : vector<16xf32>
          %get3A_305 = arith.index_cast %add3A_249 : i32 to index
          %get3A_306 = arith.constant 176 : index
          %get3A_307 = tpu.vector_load %arg5[%get3A_305, %get3A_306] {strides = array<i32>} : memref<128x200xi32, #tpu.memory_space<vmem>>, vector<16xi32>,
          %gather3A_308 = tpu.vector_load_idx %arg7[%get3A_307] : memref<1000xf32, #tpu.memory_space<vmem>>[vector<16xi32>], vector<16xf32>,
          %add3A_309 = arith.addf %add3A_299, %gather3A_308 : vector<16xf32>
          %get3A_310 = arith.index_cast %add3A_249 : i32 to index
          %get3A_311 = arith.constant 184 : index
          %get3A_312 = tpu.vector_load %arg5[%get3A_310, %get3A_311] {strides = array<i32>} : memref<128x200xi32, #tpu.memory_space<vmem>>, vector<16xi32>,
          %jit3A_313 = arith.constant 0 : i32
          %broadcast_in_dim3A_314 = vector.broadcast %jit3A_313 : i32 to vector<16xi32>
          %select_n3A_315 = arith.select %ge3A_5, %get3A_312, %broadcast_in_dim3A_314 : vector<16xi1>, vector<16xi32>
          %gather3A_316 = tpu.vector_load_idx %arg7[%select_n3A_315] : memref<1000xf32, #tpu.memory_space<vmem>>[vector<16xi32>], vector<16xf32>,
          %mul3A_317 = arith.mulf %gather3A_316, %convert_element_type3A_6 : vector<16xf32>
          %add3A_318 = arith.addf %add3A_309, %mul3A_317 : vector<16xf32>
          %add3A_319 = arith.addf %add3A_304, %add3A_318 : vector<16xf32>
          %reduce_sum3A_320 = arith.constant true
          %reduce_sum3A_321 = vector.broadcast %reduce_sum3A_320 : i1 to vector<16xi1>
          %reduce_sum3A_322 = tpu.scan <sum>, %add3A_319 masked %reduce_sum3A_321 : vector<16xf32>, vector<16xi1> -> vector<16xf32>
          %reduce_sum3A_323 = vector.extract %reduce_sum3A_322[15] : f32 from vector<16xf32>
          %eq3A_324 = vector.broadcast %add3A_248 : i32 to vector<16xi32>
          %eq3A_325 = arith.cmpi eq, %iota3A, %eq3A_324 : vector<16xi32>
          %broadcast_in_dim3A_326 = vector.broadcast %reduce_sum3A_323 : f32 to vector<16xf32>
          %select_n3A_327 = arith.select %eq3A_325, %broadcast_in_dim3A_326, %select_n3A_244 : vector<16xi1>, vector<16xf32>
          %mul3A_328 = arith.constant 4 : i32
          %mul3A_329 = arith.muli %mul3A_328, %scan3A_83 : i32
          %add3A_330 = arith.constant 3 : i32
          %add3A_331 = arith.addi %mul3A_329, %add3A_330 : i32
          %add3A_332 = arith.addi %mul3A_65, %add3A_331 : i32
          %get3A_333 = arith.index_cast %add3A_332 : i32 to index
          %get3A_334 = arith.constant 0 : index
          %get3A_335 = tpu.vector_load %arg5[%get3A_333, %get3A_334] {strides = array<i32>} : memref<128x200xi32, #tpu.memory_space<vmem>>, vector<16xi32>,
          %gather3A_336 = tpu.vector_load_idx %arg7[%get3A_335] : memref<1000xf32, #tpu.memory_space<vmem>>[vector<16xi32>], vector<16xf32>,
          %add3A_337 = arith.addf %broadcast_in_dim3A_3, %gather3A_336 : vector<16xf32>
          %get3A_338 = arith.index_cast %add3A_332 : i32 to index
          %get3A_339 = arith.constant 16 : index
          %get3A_340 = tpu.vector_load %arg5[%get3A_338, %get3A_339] {strides = array<i32>} : memref<128x200xi32, #tpu.memory_space<vmem>>, vector<16xi32>,
          %gather3A_341 = tpu.vector_load_idx %arg7[%get3A_340] : memref<1000xf32, #tpu.memory_space<vmem>>[vector<16xi32>], vector<16xf32>,
          %add3A_342 = arith.addf %broadcast_in_dim3A_3, %gather3A_341 : vector<16xf32>
          %get3A_343 = arith.index_cast %add3A_332 : i32 to index
          %get3A_344 = arith.constant 32 : index
          %get3A_345 = tpu.vector_load %arg5[%get3A_343, %get3A_344] {strides = array<i32>} : memref<128x200xi32, #tpu.memory_space<vmem>>, vector<16xi32>,
          %gather3A_346 = tpu.vector_load_idx %arg7[%get3A_345] : memref<1000xf32, #tpu.memory_space<vmem>>[vector<16xi32>], vector<16xf32>,
          %add3A_347 = arith.addf %add3A_337, %gather3A_346 : vector<16xf32>
          %get3A_348 = arith.index_cast %add3A_332 : i32 to index
          %get3A_349 = arith.constant 48 : index
          %get3A_350 = tpu.vector_load %arg5[%get3A_348, %get3A_349] {strides = array<i32>} : memref<128x200xi32, #tpu.memory_space<vmem>>, vector<16xi32>,
          %gather3A_351 = tpu.vector_load_idx %arg7[%get3A_350] : memref<1000xf32, #tpu.memory_space<vmem>>[vector<16xi32>], vector<16xf32>,
          %add3A_352 = arith.addf %add3A_342, %gather3A_351 : vector<16xf32>
          %get3A_353 = arith.index_cast %add3A_332 : i32 to index
          %get3A_354 = arith.constant 64 : index
          %get3A_355 = tpu.vector_load %arg5[%get3A_353, %get3A_354] {strides = array<i32>} : memref<128x200xi32, #tpu.memory_space<vmem>>, vector<16xi32>,
          %gather3A_356 = tpu.vector_load_idx %arg7[%get3A_355] : memref<1000xf32, #tpu.memory_space<vmem>>[vector<16xi32>], vector<16xf32>,
          %add3A_357 = arith.addf %add3A_347, %gather3A_356 : vector<16xf32>
          %get3A_358 = arith.index_cast %add3A_332 : i32 to index
          %get3A_359 = arith.constant 80 : index
          %get3A_360 = tpu.vector_load %arg5[%get3A_358, %get3A_359] {strides = array<i32>} : memref<128x200xi32, #tpu.memory_space<vmem>>, vector<16xi32>,
          %gather3A_361 = tpu.vector_load_idx %arg7[%get3A_360] : memref<1000xf32, #tpu.memory_space<vmem>>[vector<16xi32>], vector<16xf32>,
          %add3A_362 = arith.addf %add3A_352, %gather3A_361 : vector<16xf32>
          %get3A_363 = arith.index_cast %add3A_332 : i32 to index
          %get3A_364 = arith.constant 96 : index
          %get3A_365 = tpu.vector_load %arg5[%get3A_363, %get3A_364] {strides = array<i32>} : memref<128x200xi32, #tpu.memory_space<vmem>>, vector<16xi32>,
          %gather3A_366 = tpu.vector_load_idx %arg7[%get3A_365] : memref<1000xf32, #tpu.memory_space<vmem>>[vector<16xi32>], vector<16xf32>,
          %add3A_367 = arith.addf %add3A_357, %gather3A_366 : vector<16xf32>
          %get3A_368 = arith.index_cast %add3A_332 : i32 to index
          %get3A_369 = arith.constant 112 : index
          %get3A_370 = tpu.vector_load %arg5[%get3A_368, %get3A_369] {strides = array<i32>} : memref<128x200xi32, #tpu.memory_space<vmem>>, vector<16xi32>,
          %gather3A_371 = tpu.vector_load_idx %arg7[%get3A_370] : memref<1000xf32, #tpu.memory_space<vmem>>[vector<16xi32>], vector<16xf32>,
          %add3A_372 = arith.addf %add3A_362, %gather3A_371 : vector<16xf32>
          %get3A_373 = arith.index_cast %add3A_332 : i32 to index
          %get3A_374 = arith.constant 128 : index
          %get3A_375 = tpu.vector_load %arg5[%get3A_373, %get3A_374] {strides = array<i32>} : memref<128x200xi32, #tpu.memory_space<vmem>>, vector<16xi32>,
          %gather3A_376 = tpu.vector_load_idx %arg7[%get3A_375] : memref<1000xf32, #tpu.memory_space<vmem>>[vector<16xi32>], vector<16xf32>,
          %add3A_377 = arith.addf %add3A_367, %gather3A_376 : vector<16xf32>
          %get3A_378 = arith.index_cast %add3A_332 : i32 to index
          %get3A_379 = arith.constant 144 : index
          %get3A_380 = tpu.vector_load %arg5[%get3A_378, %get3A_379] {strides = array<i32>} : memref<128x200xi32, #tpu.memory_space<vmem>>, vector<16xi32>,
          %gather3A_381 = tpu.vector_load_idx %arg7[%get3A_380] : memref<1000xf32, #tpu.memory_space<vmem>>[vector<16xi32>], vector<16xf32>,
          %add3A_382 = arith.addf %add3A_372, %gather3A_381 : vector<16xf32>
          %get3A_383 = arith.index_cast %add3A_332 : i32 to index
          %get3A_384 = arith.constant 160 : index
          %get3A_385 = tpu.vector_load %arg5[%get3A_383, %get3A_384] {strides = array<i32>} : memref<128x200xi32, #tpu.memory_space<vmem>>, vector<16xi32>,
          %gather3A_386 = tpu.vector_load_idx %arg7[%get3A_385] : memref<1000xf32, #tpu.memory_space<vmem>>[vector<16xi32>], vector<16xf32>,
          %add3A_387 = arith.addf %add3A_377, %gather3A_386 : vector<16xf32>
          %get3A_388 = arith.index_cast %add3A_332 : i32 to index
          %get3A_389 = arith.constant 176 : index
          %get3A_390 = tpu.vector_load %arg5[%get3A_388, %get3A_389] {strides = array<i32>} : memref<128x200xi32, #tpu.memory_space<vmem>>, vector<16xi32>,
          %gather3A_391 = tpu.vector_load_idx %arg7[%get3A_390] : memref<1000xf32, #tpu.memory_space<vmem>>[vector<16xi32>], vector<16xf32>,
          %add3A_392 = arith.addf %add3A_382, %gather3A_391 : vector<16xf32>
          %get3A_393 = arith.index_cast %add3A_332 : i32 to index
          %get3A_394 = arith.constant 184 : index
          %get3A_395 = tpu.vector_load %arg5[%get3A_393, %get3A_394] {strides = array<i32>} : memref<128x200xi32, #tpu.memory_space<vmem>>, vector<16xi32>,
          %jit3A_396 = arith.constant 0 : i32
          %broadcast_in_dim3A_397 = vector.broadcast %jit3A_396 : i32 to vector<16xi32>
          %select_n3A_398 = arith.select %ge3A_5, %get3A_395, %broadcast_in_dim3A_397 : vector<16xi1>, vector<16xi32>
          %gather3A_399 = tpu.vector_load_idx %arg7[%select_n3A_398] : memref<1000xf32, #tpu.memory_space<vmem>>[vector<16xi32>], vector<16xf32>,
          %mul3A_400 = arith.mulf %gather3A_399, %convert_element_type3A_6 : vector<16xf32>
          %add3A_401 = arith.addf %add3A_392, %mul3A_400 : vector<16xf32>
          %add3A_402 = arith.addf %add3A_387, %add3A_401 : vector<16xf32>
          %reduce_sum3A_403 = arith.constant true
          %reduce_sum3A_404 = vector.broadcast %reduce_sum3A_403 : i1 to vector<16xi1>
          %reduce_sum3A_405 = tpu.scan <sum>, %add3A_402 masked %reduce_sum3A_404 : vector<16xf32>, vector<16xi1> -> vector<16xf32>
          %reduce_sum3A_406 = vector.extract %reduce_sum3A_405[15] : f32 from vector<16xf32>
          %eq3A_407 = vector.broadcast %add3A_331 : i32 to vector<16xi32>
          %eq3A_408 = arith.cmpi eq, %iota3A, %eq3A_407 : vector<16xi32>
          %broadcast_in_dim3A_409 = vector.broadcast %reduce_sum3A_406 : f32 to vector<16xf32>
          %select_n3A_410 = arith.select %eq3A_408, %broadcast_in_dim3A_409, %select_n3A_327 : vector<16xi1>, vector<16xf32>
          scf.yield %select_n3A_410 : vector<16xf32>
        }
        %scan3A_71 = arith.constant 4 : i32
        %neg3A = arith.constant 0.000000e+00 : f32
        %neg3A_72 = vector.broadcast %neg3A : f32 to vector<16xf32>
        %neg3A_73 = arith.subf %neg3A_72, %scan3A_70 : vector<16xf32>
        %exp3A = math.exp %neg3A_73 : vector<16xf32>
        %add3A_74 = arith.constant 1.000000e+00 : f32
        %add3A_75 = vector.broadcast %add3A_74 : f32 to vector<16xf32>
        %add3A_76 = arith.addf %add3A_75, %exp3A : vector<16xf32>
        %div3A = arith.constant 1.000000e+00 : f32
        %div3A_77 = vector.broadcast %div3A : f32 to vector<16xf32>
        %div3A_78 = arith.divf %div3A_77, %add3A_76 : vector<16xf32>
        %mul3A_79 = arith.constant 128 : i32
        %mul3A_80 = arith.muli %mul3A_25, %mul3A_79 : i32
        %add3A_81 = arith.addi %mul3A_80, %mul3A_65 : i32
        %swap3A = arith.index_cast %add3A_81 : i32 to index
        %swap3A_82 = tpu.vector_load %arg8[%swap3A] {strides = array<i32>} : memref<512xf32, #tpu.memory_space<vmem>>, vector<16xf32>,
        tpu.vector_store %arg8[%swap3A], %div3A_78 {strides = array<i32>} : memref<512xf32, #tpu.memory_space<vmem>>, vector<16xf32>,
      }
      %scan3A_36 = arith.constant 8 : i32
      %add3A_37 = arith.constant 2 : i32
      %add3A_38 = arith.addi %mul3A_25, %add3A_37 : i32
      %lt3A = arith.constant 4 : i32
      %lt3A_39 = arith.cmpi slt, %add3A_38, %lt3A : i32
      %convert_element_type3A_40 = arith.extui %lt3A_39 : i1 to i32
      %cond3A = arith.constant 0 : i32
      %cond3A_41 = arith.cmpi ne, %convert_element_type3A_40, %cond3A : i32
      scf.if %cond3A_41 {
        %mul3A_63 = arith.constant 128 : i32
        %mul3A_64 = arith.muli %add3A_38, %mul3A_63 : i32
        %add3A_65 = arith.addi %mul3A_2, %mul3A_64 : i32
        %dma_start3A_66 = arith.constant 0 : i32
        %dma_start3A_67 = tpu.memref_slice %arg2[%add3A_65, %dma_start3A_66] : memref<16384x200xi32, #tpu.memory_space<hbm>> -> memref<128x200xi32, #tpu.memory_space<hbm>>
        %dma_start3A_68 = arith.constant 0 : i32
        %dma_start3A_69 = tpu.memref_slice %arg2[%add3A_65, %dma_start3A_68] : memref<16384x200xi32, #tpu.memory_space<hbm>> -> memref<128x200xi32, #tpu.memory_space<hbm>>
        tpu.enqueue_dma source(%dma_start3A_69 : memref<128x200xi32, #tpu.memory_space<hbm>>) target(%arg5 : memref<128x200xi32, #tpu.memory_space<vmem>>) target_semaphore(%arg9 : memref<!tpu.dma_semaphore, #tpu.memory_space<semaphore_mem>>)
      } else {
      }
      %dma_wait3A_42 = arith.constant 0 : i32
      %dma_wait3A_43 = arith.constant 0 : i32
      %dma_wait3A_44 = tpu.memref_slice %arg2[%dma_wait3A_42, %dma_wait3A_43] : memref<16384x200xi32, #tpu.memory_space<hbm>> -> memref<128x200xi32, #tpu.memory_space<hbm>>
      %dma_wait3A_45 = arith.constant 0 : i32
      %dma_wait3A_46 = arith.constant 0 : i32
      %dma_wait3A_47 = tpu.memref_slice %arg2[%dma_wait3A_45, %dma_wait3A_46] : memref<16384x200xi32, #tpu.memory_space<hbm>> -> memref<128x200xi32, #tpu.memory_space<hbm>>
      tpu.wait_dma2 semaphore(%arg10 : memref<!tpu.dma_semaphore, #tpu.memory_space<semaphore_mem>>) src(%dma_wait3A_47 : memref<128x200xi32, #tpu.memory_space<hbm>>) dst(%arg6 : memref<128x200xi32, #tpu.memory_space<vmem>>)
      %add3A_48 = arith.constant 1 : i32
      %add3A_49 = arith.addi %mul3A_25, %add3A_48 : i32
      %scan3A_50 = arith.constant 0 : i32
      %scan3A_51 = arith.constant 0 : i32
      %scan3A_52 = arith.constant 8 : i32
      %scan3A_53 = arith.addi %scan3A_51, %scan3A_52 : i32
      %scan3A_54 = arith.constant 1 : i32
      scf.for %scan3A_63 = %scan3A_51 to %scan3A_53 step %scan3A_54  : i32 {
        %mul3A_64 = arith.constant 16 : i32
        %mul3A_65 = arith.muli %scan3A_63, %mul3A_64 : i32
        %scan3A_66 = arith.constant 0 : i32
        %scan3A_67 = arith.constant 4 : i32
        %scan3A_68 = arith.addi %scan3A_66, %scan3A_67 : i32
        %scan3A_69 = arith.constant 1 : i32
        %scan3A_70 = scf.for %scan3A_83 = %scan3A_66 to %scan3A_68 step %scan3A_69 iter_args(%scan3A_84 = %broadcast_in_dim3A_3) -> (vector<16xf32>)  : i32 {
          %mul3A_85 = arith.constant 4 : i32
          %mul3A_86 = arith.muli %mul3A_85, %scan3A_83 : i32
          %add3A_87 = arith.constant 0 : i32
          %add3A_88 = arith.addi %mul3A_86, %add3A_87 : i32
          %add3A_89 = arith.addi %mul3A_65, %add3A_88 : i32
          %get3A = arith.index_cast %add3A_89 : i32 to index
          %get3A_90 = arith.constant 0 : index
          %get3A_91 = tpu.vector_load %arg6[%get3A, %get3A_90] {strides = array<i32>} : memref<128x200xi32, #tpu.memory_space<vmem>>, vector<16xi32>,
          %gather3A = tpu.vector_load_idx %arg7[%get3A_91] : memref<1000xf32, #tpu.memory_space<vmem>>[vector<16xi32>], vector<16xf32>,
          %add3A_92 = arith.addf %broadcast_in_dim3A_3, %gather3A : vector<16xf32>
          %get3A_93 = arith.index_cast %add3A_89 : i32 to index
          %get3A_94 = arith.constant 16 : index
          %get3A_95 = tpu.vector_load %arg6[%get3A_93, %get3A_94] {strides = array<i32>} : memref<128x200xi32, #tpu.memory_space<vmem>>, vector<16xi32>,
          %gather3A_96 = tpu.vector_load_idx %arg7[%get3A_95] : memref<1000xf32, #tpu.memory_space<vmem>>[vector<16xi32>], vector<16xf32>,
          %add3A_97 = arith.addf %broadcast_in_dim3A_3, %gather3A_96 : vector<16xf32>
          %get3A_98 = arith.index_cast %add3A_89 : i32 to index
          %get3A_99 = arith.constant 32 : index
          %get3A_100 = tpu.vector_load %arg6[%get3A_98, %get3A_99] {strides = array<i32>} : memref<128x200xi32, #tpu.memory_space<vmem>>, vector<16xi32>,
          %gather3A_101 = tpu.vector_load_idx %arg7[%get3A_100] : memref<1000xf32, #tpu.memory_space<vmem>>[vector<16xi32>], vector<16xf32>,
          %add3A_102 = arith.addf %add3A_92, %gather3A_101 : vector<16xf32>
          %get3A_103 = arith.index_cast %add3A_89 : i32 to index
          %get3A_104 = arith.constant 48 : index
          %get3A_105 = tpu.vector_load %arg6[%get3A_103, %get3A_104] {strides = array<i32>} : memref<128x200xi32, #tpu.memory_space<vmem>>, vector<16xi32>,
          %gather3A_106 = tpu.vector_load_idx %arg7[%get3A_105] : memref<1000xf32, #tpu.memory_space<vmem>>[vector<16xi32>], vector<16xf32>,
          %add3A_107 = arith.addf %add3A_97, %gather3A_106 : vector<16xf32>
          %get3A_108 = arith.index_cast %add3A_89 : i32 to index
          %get3A_109 = arith.constant 64 : index
          %get3A_110 = tpu.vector_load %arg6[%get3A_108, %get3A_109] {strides = array<i32>} : memref<128x200xi32, #tpu.memory_space<vmem>>, vector<16xi32>,
          %gather3A_111 = tpu.vector_load_idx %arg7[%get3A_110] : memref<1000xf32, #tpu.memory_space<vmem>>[vector<16xi32>], vector<16xf32>,
          %add3A_112 = arith.addf %add3A_102, %gather3A_111 : vector<16xf32>
          %get3A_113 = arith.index_cast %add3A_89 : i32 to index
          %get3A_114 = arith.constant 80 : index
          %get3A_115 = tpu.vector_load %arg6[%get3A_113, %get3A_114] {strides = array<i32>} : memref<128x200xi32, #tpu.memory_space<vmem>>, vector<16xi32>,
          %gather3A_116 = tpu.vector_load_idx %arg7[%get3A_115] : memref<1000xf32, #tpu.memory_space<vmem>>[vector<16xi32>], vector<16xf32>,
          %add3A_117 = arith.addf %add3A_107, %gather3A_116 : vector<16xf32>
          %get3A_118 = arith.index_cast %add3A_89 : i32 to index
          %get3A_119 = arith.constant 96 : index
          %get3A_120 = tpu.vector_load %arg6[%get3A_118, %get3A_119] {strides = array<i32>} : memref<128x200xi32, #tpu.memory_space<vmem>>, vector<16xi32>,
          %gather3A_121 = tpu.vector_load_idx %arg7[%get3A_120] : memref<1000xf32, #tpu.memory_space<vmem>>[vector<16xi32>], vector<16xf32>,
          %add3A_122 = arith.addf %add3A_112, %gather3A_121 : vector<16xf32>
          %get3A_123 = arith.index_cast %add3A_89 : i32 to index
          %get3A_124 = arith.constant 112 : index
          %get3A_125 = tpu.vector_load %arg6[%get3A_123, %get3A_124] {strides = array<i32>} : memref<128x200xi32, #tpu.memory_space<vmem>>, vector<16xi32>,
          %gather3A_126 = tpu.vector_load_idx %arg7[%get3A_125] : memref<1000xf32, #tpu.memory_space<vmem>>[vector<16xi32>], vector<16xf32>,
          %add3A_127 = arith.addf %add3A_117, %gather3A_126 : vector<16xf32>
          %get3A_128 = arith.index_cast %add3A_89 : i32 to index
          %get3A_129 = arith.constant 128 : index
          %get3A_130 = tpu.vector_load %arg6[%get3A_128, %get3A_129] {strides = array<i32>} : memref<128x200xi32, #tpu.memory_space<vmem>>, vector<16xi32>,
          %gather3A_131 = tpu.vector_load_idx %arg7[%get3A_130] : memref<1000xf32, #tpu.memory_space<vmem>>[vector<16xi32>], vector<16xf32>,
          %add3A_132 = arith.addf %add3A_122, %gather3A_131 : vector<16xf32>
          %get3A_133 = arith.index_cast %add3A_89 : i32 to index
          %get3A_134 = arith.constant 144 : index
          %get3A_135 = tpu.vector_load %arg6[%get3A_133, %get3A_134] {strides = array<i32>} : memref<128x200xi32, #tpu.memory_space<vmem>>, vector<16xi32>,
          %gather3A_136 = tpu.vector_load_idx %arg7[%get3A_135] : memref<1000xf32, #tpu.memory_space<vmem>>[vector<16xi32>], vector<16xf32>,
          %add3A_137 = arith.addf %add3A_127, %gather3A_136 : vector<16xf32>
          %get3A_138 = arith.index_cast %add3A_89 : i32 to index
          %get3A_139 = arith.constant 160 : index
          %get3A_140 = tpu.vector_load %arg6[%get3A_138, %get3A_139] {strides = array<i32>} : memref<128x200xi32, #tpu.memory_space<vmem>>, vector<16xi32>,
          %gather3A_141 = tpu.vector_load_idx %arg7[%get3A_140] : memref<1000xf32, #tpu.memory_space<vmem>>[vector<16xi32>], vector<16xf32>,
          %add3A_142 = arith.addf %add3A_132, %gather3A_141 : vector<16xf32>
          %get3A_143 = arith.index_cast %add3A_89 : i32 to index
          %get3A_144 = arith.constant 176 : index
          %get3A_145 = tpu.vector_load %arg6[%get3A_143, %get3A_144] {strides = array<i32>} : memref<128x200xi32, #tpu.memory_space<vmem>>, vector<16xi32>,
          %gather3A_146 = tpu.vector_load_idx %arg7[%get3A_145] : memref<1000xf32, #tpu.memory_space<vmem>>[vector<16xi32>], vector<16xf32>,
          %add3A_147 = arith.addf %add3A_137, %gather3A_146 : vector<16xf32>
          %get3A_148 = arith.index_cast %add3A_89 : i32 to index
          %get3A_149 = arith.constant 184 : index
          %get3A_150 = tpu.vector_load %arg6[%get3A_148, %get3A_149] {strides = array<i32>} : memref<128x200xi32, #tpu.memory_space<vmem>>, vector<16xi32>,
          %jit3A = arith.constant 0 : i32
          %broadcast_in_dim3A_151 = vector.broadcast %jit3A : i32 to vector<16xi32>
          %select_n3A = arith.select %ge3A_5, %get3A_150, %broadcast_in_dim3A_151 : vector<16xi1>, vector<16xi32>
          %gather3A_152 = tpu.vector_load_idx %arg7[%select_n3A] : memref<1000xf32, #tpu.memory_space<vmem>>[vector<16xi32>], vector<16xf32>,
          %mul3A_153 = arith.mulf %gather3A_152, %convert_element_type3A_6 : vector<16xf32>
          %add3A_154 = arith.addf %add3A_147, %mul3A_153 : vector<16xf32>
          %add3A_155 = arith.addf %add3A_142, %add3A_154 : vector<16xf32>
          %reduce_sum3A = arith.constant true
          %reduce_sum3A_156 = vector.broadcast %reduce_sum3A : i1 to vector<16xi1>
          %reduce_sum3A_157 = tpu.scan <sum>, %add3A_155 masked %reduce_sum3A_156 : vector<16xf32>, vector<16xi1> -> vector<16xf32>
          %reduce_sum3A_158 = vector.extract %reduce_sum3A_157[15] : f32 from vector<16xf32>
          %eq3A = vector.broadcast %add3A_88 : i32 to vector<16xi32>
          %eq3A_159 = arith.cmpi eq, %iota3A, %eq3A : vector<16xi32>
          %broadcast_in_dim3A_160 = vector.broadcast %reduce_sum3A_158 : f32 to vector<16xf32>
          %select_n3A_161 = arith.select %eq3A_159, %broadcast_in_dim3A_160, %scan3A_84 : vector<16xi1>, vector<16xf32>
          %mul3A_162 = arith.constant 4 : i32
          %mul3A_163 = arith.muli %mul3A_162, %scan3A_83 : i32
          %add3A_164 = arith.constant 1 : i32
          %add3A_165 = arith.addi %mul3A_163, %add3A_164 : i32
          %add3A_166 = arith.addi %mul3A_65, %add3A_165 : i32
          %get3A_167 = arith.index_cast %add3A_166 : i32 to index
          %get3A_168 = arith.constant 0 : index
          %get3A_169 = tpu.vector_load %arg6[%get3A_167, %get3A_168] {strides = array<i32>} : memref<128x200xi32, #tpu.memory_space<vmem>>, vector<16xi32>,
          %gather3A_170 = tpu.vector_load_idx %arg7[%get3A_169] : memref<1000xf32, #tpu.memory_space<vmem>>[vector<16xi32>], vector<16xf32>,
          %add3A_171 = arith.addf %broadcast_in_dim3A_3, %gather3A_170 : vector<16xf32>
          %get3A_172 = arith.index_cast %add3A_166 : i32 to index
          %get3A_173 = arith.constant 16 : index
          %get3A_174 = tpu.vector_load %arg6[%get3A_172, %get3A_173] {strides = array<i32>} : memref<128x200xi32, #tpu.memory_space<vmem>>, vector<16xi32>,
          %gather3A_175 = tpu.vector_load_idx %arg7[%get3A_174] : memref<1000xf32, #tpu.memory_space<vmem>>[vector<16xi32>], vector<16xf32>,
          %add3A_176 = arith.addf %broadcast_in_dim3A_3, %gather3A_175 : vector<16xf32>
          %get3A_177 = arith.index_cast %add3A_166 : i32 to index
          %get3A_178 = arith.constant 32 : index
          %get3A_179 = tpu.vector_load %arg6[%get3A_177, %get3A_178] {strides = array<i32>} : memref<128x200xi32, #tpu.memory_space<vmem>>, vector<16xi32>,
          %gather3A_180 = tpu.vector_load_idx %arg7[%get3A_179] : memref<1000xf32, #tpu.memory_space<vmem>>[vector<16xi32>], vector<16xf32>,
          %add3A_181 = arith.addf %add3A_171, %gather3A_180 : vector<16xf32>
          %get3A_182 = arith.index_cast %add3A_166 : i32 to index
          %get3A_183 = arith.constant 48 : index
          %get3A_184 = tpu.vector_load %arg6[%get3A_182, %get3A_183] {strides = array<i32>} : memref<128x200xi32, #tpu.memory_space<vmem>>, vector<16xi32>,
          %gather3A_185 = tpu.vector_load_idx %arg7[%get3A_184] : memref<1000xf32, #tpu.memory_space<vmem>>[vector<16xi32>], vector<16xf32>,
          %add3A_186 = arith.addf %add3A_176, %gather3A_185 : vector<16xf32>
          %get3A_187 = arith.index_cast %add3A_166 : i32 to index
          %get3A_188 = arith.constant 64 : index
          %get3A_189 = tpu.vector_load %arg6[%get3A_187, %get3A_188] {strides = array<i32>} : memref<128x200xi32, #tpu.memory_space<vmem>>, vector<16xi32>,
          %gather3A_190 = tpu.vector_load_idx %arg7[%get3A_189] : memref<1000xf32, #tpu.memory_space<vmem>>[vector<16xi32>], vector<16xf32>,
          %add3A_191 = arith.addf %add3A_181, %gather3A_190 : vector<16xf32>
          %get3A_192 = arith.index_cast %add3A_166 : i32 to index
          %get3A_193 = arith.constant 80 : index
          %get3A_194 = tpu.vector_load %arg6[%get3A_192, %get3A_193] {strides = array<i32>} : memref<128x200xi32, #tpu.memory_space<vmem>>, vector<16xi32>,
          %gather3A_195 = tpu.vector_load_idx %arg7[%get3A_194] : memref<1000xf32, #tpu.memory_space<vmem>>[vector<16xi32>], vector<16xf32>,
          %add3A_196 = arith.addf %add3A_186, %gather3A_195 : vector<16xf32>
          %get3A_197 = arith.index_cast %add3A_166 : i32 to index
          %get3A_198 = arith.constant 96 : index
          %get3A_199 = tpu.vector_load %arg6[%get3A_197, %get3A_198] {strides = array<i32>} : memref<128x200xi32, #tpu.memory_space<vmem>>, vector<16xi32>,
          %gather3A_200 = tpu.vector_load_idx %arg7[%get3A_199] : memref<1000xf32, #tpu.memory_space<vmem>>[vector<16xi32>], vector<16xf32>,
          %add3A_201 = arith.addf %add3A_191, %gather3A_200 : vector<16xf32>
          %get3A_202 = arith.index_cast %add3A_166 : i32 to index
          %get3A_203 = arith.constant 112 : index
          %get3A_204 = tpu.vector_load %arg6[%get3A_202, %get3A_203] {strides = array<i32>} : memref<128x200xi32, #tpu.memory_space<vmem>>, vector<16xi32>,
          %gather3A_205 = tpu.vector_load_idx %arg7[%get3A_204] : memref<1000xf32, #tpu.memory_space<vmem>>[vector<16xi32>], vector<16xf32>,
          %add3A_206 = arith.addf %add3A_196, %gather3A_205 : vector<16xf32>
          %get3A_207 = arith.index_cast %add3A_166 : i32 to index
          %get3A_208 = arith.constant 128 : index
          %get3A_209 = tpu.vector_load %arg6[%get3A_207, %get3A_208] {strides = array<i32>} : memref<128x200xi32, #tpu.memory_space<vmem>>, vector<16xi32>,
          %gather3A_210 = tpu.vector_load_idx %arg7[%get3A_209] : memref<1000xf32, #tpu.memory_space<vmem>>[vector<16xi32>], vector<16xf32>,
          %add3A_211 = arith.addf %add3A_201, %gather3A_210 : vector<16xf32>
          %get3A_212 = arith.index_cast %add3A_166 : i32 to index
          %get3A_213 = arith.constant 144 : index
          %get3A_214 = tpu.vector_load %arg6[%get3A_212, %get3A_213] {strides = array<i32>} : memref<128x200xi32, #tpu.memory_space<vmem>>, vector<16xi32>,
          %gather3A_215 = tpu.vector_load_idx %arg7[%get3A_214] : memref<1000xf32, #tpu.memory_space<vmem>>[vector<16xi32>], vector<16xf32>,
          %add3A_216 = arith.addf %add3A_206, %gather3A_215 : vector<16xf32>
          %get3A_217 = arith.index_cast %add3A_166 : i32 to index
          %get3A_218 = arith.constant 160 : index
          %get3A_219 = tpu.vector_load %arg6[%get3A_217, %get3A_218] {strides = array<i32>} : memref<128x200xi32, #tpu.memory_space<vmem>>, vector<16xi32>,
          %gather3A_220 = tpu.vector_load_idx %arg7[%get3A_219] : memref<1000xf32, #tpu.memory_space<vmem>>[vector<16xi32>], vector<16xf32>,
          %add3A_221 = arith.addf %add3A_211, %gather3A_220 : vector<16xf32>
          %get3A_222 = arith.index_cast %add3A_166 : i32 to index
          %get3A_223 = arith.constant 176 : index
          %get3A_224 = tpu.vector_load %arg6[%get3A_222, %get3A_223] {strides = array<i32>} : memref<128x200xi32, #tpu.memory_space<vmem>>, vector<16xi32>,
          %gather3A_225 = tpu.vector_load_idx %arg7[%get3A_224] : memref<1000xf32, #tpu.memory_space<vmem>>[vector<16xi32>], vector<16xf32>,
          %add3A_226 = arith.addf %add3A_216, %gather3A_225 : vector<16xf32>
          %get3A_227 = arith.index_cast %add3A_166 : i32 to index
          %get3A_228 = arith.constant 184 : index
          %get3A_229 = tpu.vector_load %arg6[%get3A_227, %get3A_228] {strides = array<i32>} : memref<128x200xi32, #tpu.memory_space<vmem>>, vector<16xi32>,
          %jit3A_230 = arith.constant 0 : i32
          %broadcast_in_dim3A_231 = vector.broadcast %jit3A_230 : i32 to vector<16xi32>
          %select_n3A_232 = arith.select %ge3A_5, %get3A_229, %broadcast_in_dim3A_231 : vector<16xi1>, vector<16xi32>
          %gather3A_233 = tpu.vector_load_idx %arg7[%select_n3A_232] : memref<1000xf32, #tpu.memory_space<vmem>>[vector<16xi32>], vector<16xf32>,
          %mul3A_234 = arith.mulf %gather3A_233, %convert_element_type3A_6 : vector<16xf32>
          %add3A_235 = arith.addf %add3A_226, %mul3A_234 : vector<16xf32>
          %add3A_236 = arith.addf %add3A_221, %add3A_235 : vector<16xf32>
          %reduce_sum3A_237 = arith.constant true
          %reduce_sum3A_238 = vector.broadcast %reduce_sum3A_237 : i1 to vector<16xi1>
          %reduce_sum3A_239 = tpu.scan <sum>, %add3A_236 masked %reduce_sum3A_238 : vector<16xf32>, vector<16xi1> -> vector<16xf32>
          %reduce_sum3A_240 = vector.extract %reduce_sum3A_239[15] : f32 from vector<16xf32>
          %eq3A_241 = vector.broadcast %add3A_165 : i32 to vector<16xi32>
          %eq3A_242 = arith.cmpi eq, %iota3A, %eq3A_241 : vector<16xi32>
          %broadcast_in_dim3A_243 = vector.broadcast %reduce_sum3A_240 : f32 to vector<16xf32>
          %select_n3A_244 = arith.select %eq3A_242, %broadcast_in_dim3A_243, %select_n3A_161 : vector<16xi1>, vector<16xf32>
          %mul3A_245 = arith.constant 4 : i32
          %mul3A_246 = arith.muli %mul3A_245, %scan3A_83 : i32
          %add3A_247 = arith.constant 2 : i32
          %add3A_248 = arith.addi %mul3A_246, %add3A_247 : i32
          %add3A_249 = arith.addi %mul3A_65, %add3A_248 : i32
          %get3A_250 = arith.index_cast %add3A_249 : i32 to index
          %get3A_251 = arith.constant 0 : index
          %get3A_252 = tpu.vector_load %arg6[%get3A_250, %get3A_251] {strides = array<i32>} : memref<128x200xi32, #tpu.memory_space<vmem>>, vector<16xi32>,
          %gather3A_253 = tpu.vector_load_idx %arg7[%get3A_252] : memref<1000xf32, #tpu.memory_space<vmem>>[vector<16xi32>], vector<16xf32>,
          %add3A_254 = arith.addf %broadcast_in_dim3A_3, %gather3A_253 : vector<16xf32>
          %get3A_255 = arith.index_cast %add3A_249 : i32 to index
          %get3A_256 = arith.constant 16 : index
          %get3A_257 = tpu.vector_load %arg6[%get3A_255, %get3A_256] {strides = array<i32>} : memref<128x200xi32, #tpu.memory_space<vmem>>, vector<16xi32>,
          %gather3A_258 = tpu.vector_load_idx %arg7[%get3A_257] : memref<1000xf32, #tpu.memory_space<vmem>>[vector<16xi32>], vector<16xf32>,
          %add3A_259 = arith.addf %broadcast_in_dim3A_3, %gather3A_258 : vector<16xf32>
          %get3A_260 = arith.index_cast %add3A_249 : i32 to index
          %get3A_261 = arith.constant 32 : index
          %get3A_262 = tpu.vector_load %arg6[%get3A_260, %get3A_261] {strides = array<i32>} : memref<128x200xi32, #tpu.memory_space<vmem>>, vector<16xi32>,
          %gather3A_263 = tpu.vector_load_idx %arg7[%get3A_262] : memref<1000xf32, #tpu.memory_space<vmem>>[vector<16xi32>], vector<16xf32>,
          %add3A_264 = arith.addf %add3A_254, %gather3A_263 : vector<16xf32>
          %get3A_265 = arith.index_cast %add3A_249 : i32 to index
          %get3A_266 = arith.constant 48 : index
          %get3A_267 = tpu.vector_load %arg6[%get3A_265, %get3A_266] {strides = array<i32>} : memref<128x200xi32, #tpu.memory_space<vmem>>, vector<16xi32>,
          %gather3A_268 = tpu.vector_load_idx %arg7[%get3A_267] : memref<1000xf32, #tpu.memory_space<vmem>>[vector<16xi32>], vector<16xf32>,
          %add3A_269 = arith.addf %add3A_259, %gather3A_268 : vector<16xf32>
          %get3A_270 = arith.index_cast %add3A_249 : i32 to index
          %get3A_271 = arith.constant 64 : index
          %get3A_272 = tpu.vector_load %arg6[%get3A_270, %get3A_271] {strides = array<i32>} : memref<128x200xi32, #tpu.memory_space<vmem>>, vector<16xi32>,
          %gather3A_273 = tpu.vector_load_idx %arg7[%get3A_272] : memref<1000xf32, #tpu.memory_space<vmem>>[vector<16xi32>], vector<16xf32>,
          %add3A_274 = arith.addf %add3A_264, %gather3A_273 : vector<16xf32>
          %get3A_275 = arith.index_cast %add3A_249 : i32 to index
          %get3A_276 = arith.constant 80 : index
          %get3A_277 = tpu.vector_load %arg6[%get3A_275, %get3A_276] {strides = array<i32>} : memref<128x200xi32, #tpu.memory_space<vmem>>, vector<16xi32>,
          %gather3A_278 = tpu.vector_load_idx %arg7[%get3A_277] : memref<1000xf32, #tpu.memory_space<vmem>>[vector<16xi32>], vector<16xf32>,
          %add3A_279 = arith.addf %add3A_269, %gather3A_278 : vector<16xf32>
          %get3A_280 = arith.index_cast %add3A_249 : i32 to index
          %get3A_281 = arith.constant 96 : index
          %get3A_282 = tpu.vector_load %arg6[%get3A_280, %get3A_281] {strides = array<i32>} : memref<128x200xi32, #tpu.memory_space<vmem>>, vector<16xi32>,
          %gather3A_283 = tpu.vector_load_idx %arg7[%get3A_282] : memref<1000xf32, #tpu.memory_space<vmem>>[vector<16xi32>], vector<16xf32>,
          %add3A_284 = arith.addf %add3A_274, %gather3A_283 : vector<16xf32>
          %get3A_285 = arith.index_cast %add3A_249 : i32 to index
          %get3A_286 = arith.constant 112 : index
          %get3A_287 = tpu.vector_load %arg6[%get3A_285, %get3A_286] {strides = array<i32>} : memref<128x200xi32, #tpu.memory_space<vmem>>, vector<16xi32>,
          %gather3A_288 = tpu.vector_load_idx %arg7[%get3A_287] : memref<1000xf32, #tpu.memory_space<vmem>>[vector<16xi32>], vector<16xf32>,
          %add3A_289 = arith.addf %add3A_279, %gather3A_288 : vector<16xf32>
          %get3A_290 = arith.index_cast %add3A_249 : i32 to index
          %get3A_291 = arith.constant 128 : index
          %get3A_292 = tpu.vector_load %arg6[%get3A_290, %get3A_291] {strides = array<i32>} : memref<128x200xi32, #tpu.memory_space<vmem>>, vector<16xi32>,
          %gather3A_293 = tpu.vector_load_idx %arg7[%get3A_292] : memref<1000xf32, #tpu.memory_space<vmem>>[vector<16xi32>], vector<16xf32>,
          %add3A_294 = arith.addf %add3A_284, %gather3A_293 : vector<16xf32>
          %get3A_295 = arith.index_cast %add3A_249 : i32 to index
          %get3A_296 = arith.constant 144 : index
          %get3A_297 = tpu.vector_load %arg6[%get3A_295, %get3A_296] {strides = array<i32>} : memref<128x200xi32, #tpu.memory_space<vmem>>, vector<16xi32>,
          %gather3A_298 = tpu.vector_load_idx %arg7[%get3A_297] : memref<1000xf32, #tpu.memory_space<vmem>>[vector<16xi32>], vector<16xf32>,
          %add3A_299 = arith.addf %add3A_289, %gather3A_298 : vector<16xf32>
          %get3A_300 = arith.index_cast %add3A_249 : i32 to index
          %get3A_301 = arith.constant 160 : index
          %get3A_302 = tpu.vector_load %arg6[%get3A_300, %get3A_301] {strides = array<i32>} : memref<128x200xi32, #tpu.memory_space<vmem>>, vector<16xi32>,
          %gather3A_303 = tpu.vector_load_idx %arg7[%get3A_302] : memref<1000xf32, #tpu.memory_space<vmem>>[vector<16xi32>], vector<16xf32>,
          %add3A_304 = arith.addf %add3A_294, %gather3A_303 : vector<16xf32>
          %get3A_305 = arith.index_cast %add3A_249 : i32 to index
          %get3A_306 = arith.constant 176 : index
          %get3A_307 = tpu.vector_load %arg6[%get3A_305, %get3A_306] {strides = array<i32>} : memref<128x200xi32, #tpu.memory_space<vmem>>, vector<16xi32>,
          %gather3A_308 = tpu.vector_load_idx %arg7[%get3A_307] : memref<1000xf32, #tpu.memory_space<vmem>>[vector<16xi32>], vector<16xf32>,
          %add3A_309 = arith.addf %add3A_299, %gather3A_308 : vector<16xf32>
          %get3A_310 = arith.index_cast %add3A_249 : i32 to index
          %get3A_311 = arith.constant 184 : index
          %get3A_312 = tpu.vector_load %arg6[%get3A_310, %get3A_311] {strides = array<i32>} : memref<128x200xi32, #tpu.memory_space<vmem>>, vector<16xi32>,
          %jit3A_313 = arith.constant 0 : i32
          %broadcast_in_dim3A_314 = vector.broadcast %jit3A_313 : i32 to vector<16xi32>
          %select_n3A_315 = arith.select %ge3A_5, %get3A_312, %broadcast_in_dim3A_314 : vector<16xi1>, vector<16xi32>
          %gather3A_316 = tpu.vector_load_idx %arg7[%select_n3A_315] : memref<1000xf32, #tpu.memory_space<vmem>>[vector<16xi32>], vector<16xf32>,
          %mul3A_317 = arith.mulf %gather3A_316, %convert_element_type3A_6 : vector<16xf32>
          %add3A_318 = arith.addf %add3A_309, %mul3A_317 : vector<16xf32>
          %add3A_319 = arith.addf %add3A_304, %add3A_318 : vector<16xf32>
          %reduce_sum3A_320 = arith.constant true
          %reduce_sum3A_321 = vector.broadcast %reduce_sum3A_320 : i1 to vector<16xi1>
          %reduce_sum3A_322 = tpu.scan <sum>, %add3A_319 masked %reduce_sum3A_321 : vector<16xf32>, vector<16xi1> -> vector<16xf32>
          %reduce_sum3A_323 = vector.extract %reduce_sum3A_322[15] : f32 from vector<16xf32>
          %eq3A_324 = vector.broadcast %add3A_248 : i32 to vector<16xi32>
          %eq3A_325 = arith.cmpi eq, %iota3A, %eq3A_324 : vector<16xi32>
          %broadcast_in_dim3A_326 = vector.broadcast %reduce_sum3A_323 : f32 to vector<16xf32>
          %select_n3A_327 = arith.select %eq3A_325, %broadcast_in_dim3A_326, %select_n3A_244 : vector<16xi1>, vector<16xf32>
          %mul3A_328 = arith.constant 4 : i32
          %mul3A_329 = arith.muli %mul3A_328, %scan3A_83 : i32
          %add3A_330 = arith.constant 3 : i32
          %add3A_331 = arith.addi %mul3A_329, %add3A_330 : i32
          %add3A_332 = arith.addi %mul3A_65, %add3A_331 : i32
          %get3A_333 = arith.index_cast %add3A_332 : i32 to index
          %get3A_334 = arith.constant 0 : index
          %get3A_335 = tpu.vector_load %arg6[%get3A_333, %get3A_334] {strides = array<i32>} : memref<128x200xi32, #tpu.memory_space<vmem>>, vector<16xi32>,
          %gather3A_336 = tpu.vector_load_idx %arg7[%get3A_335] : memref<1000xf32, #tpu.memory_space<vmem>>[vector<16xi32>], vector<16xf32>,
          %add3A_337 = arith.addf %broadcast_in_dim3A_3, %gather3A_336 : vector<16xf32>
          %get3A_338 = arith.index_cast %add3A_332 : i32 to index
          %get3A_339 = arith.constant 16 : index
          %get3A_340 = tpu.vector_load %arg6[%get3A_338, %get3A_339] {strides = array<i32>} : memref<128x200xi32, #tpu.memory_space<vmem>>, vector<16xi32>,
          %gather3A_341 = tpu.vector_load_idx %arg7[%get3A_340] : memref<1000xf32, #tpu.memory_space<vmem>>[vector<16xi32>], vector<16xf32>,
          %add3A_342 = arith.addf %broadcast_in_dim3A_3, %gather3A_341 : vector<16xf32>
          %get3A_343 = arith.index_cast %add3A_332 : i32 to index
          %get3A_344 = arith.constant 32 : index
          %get3A_345 = tpu.vector_load %arg6[%get3A_343, %get3A_344] {strides = array<i32>} : memref<128x200xi32, #tpu.memory_space<vmem>>, vector<16xi32>,
          %gather3A_346 = tpu.vector_load_idx %arg7[%get3A_345] : memref<1000xf32, #tpu.memory_space<vmem>>[vector<16xi32>], vector<16xf32>,
          %add3A_347 = arith.addf %add3A_337, %gather3A_346 : vector<16xf32>
          %get3A_348 = arith.index_cast %add3A_332 : i32 to index
          %get3A_349 = arith.constant 48 : index
          %get3A_350 = tpu.vector_load %arg6[%get3A_348, %get3A_349] {strides = array<i32>} : memref<128x200xi32, #tpu.memory_space<vmem>>, vector<16xi32>,
          %gather3A_351 = tpu.vector_load_idx %arg7[%get3A_350] : memref<1000xf32, #tpu.memory_space<vmem>>[vector<16xi32>], vector<16xf32>,
          %add3A_352 = arith.addf %add3A_342, %gather3A_351 : vector<16xf32>
          %get3A_353 = arith.index_cast %add3A_332 : i32 to index
          %get3A_354 = arith.constant 64 : index
          %get3A_355 = tpu.vector_load %arg6[%get3A_353, %get3A_354] {strides = array<i32>} : memref<128x200xi32, #tpu.memory_space<vmem>>, vector<16xi32>,
          %gather3A_356 = tpu.vector_load_idx %arg7[%get3A_355] : memref<1000xf32, #tpu.memory_space<vmem>>[vector<16xi32>], vector<16xf32>,
          %add3A_357 = arith.addf %add3A_347, %gather3A_356 : vector<16xf32>
          %get3A_358 = arith.index_cast %add3A_332 : i32 to index
          %get3A_359 = arith.constant 80 : index
          %get3A_360 = tpu.vector_load %arg6[%get3A_358, %get3A_359] {strides = array<i32>} : memref<128x200xi32, #tpu.memory_space<vmem>>, vector<16xi32>,
          %gather3A_361 = tpu.vector_load_idx %arg7[%get3A_360] : memref<1000xf32, #tpu.memory_space<vmem>>[vector<16xi32>], vector<16xf32>,
          %add3A_362 = arith.addf %add3A_352, %gather3A_361 : vector<16xf32>
          %get3A_363 = arith.index_cast %add3A_332 : i32 to index
          %get3A_364 = arith.constant 96 : index
          %get3A_365 = tpu.vector_load %arg6[%get3A_363, %get3A_364] {strides = array<i32>} : memref<128x200xi32, #tpu.memory_space<vmem>>, vector<16xi32>,
          %gather3A_366 = tpu.vector_load_idx %arg7[%get3A_365] : memref<1000xf32, #tpu.memory_space<vmem>>[vector<16xi32>], vector<16xf32>,
          %add3A_367 = arith.addf %add3A_357, %gather3A_366 : vector<16xf32>
          %get3A_368 = arith.index_cast %add3A_332 : i32 to index
          %get3A_369 = arith.constant 112 : index
          %get3A_370 = tpu.vector_load %arg6[%get3A_368, %get3A_369] {strides = array<i32>} : memref<128x200xi32, #tpu.memory_space<vmem>>, vector<16xi32>,
          %gather3A_371 = tpu.vector_load_idx %arg7[%get3A_370] : memref<1000xf32, #tpu.memory_space<vmem>>[vector<16xi32>], vector<16xf32>,
          %add3A_372 = arith.addf %add3A_362, %gather3A_371 : vector<16xf32>
          %get3A_373 = arith.index_cast %add3A_332 : i32 to index
          %get3A_374 = arith.constant 128 : index
          %get3A_375 = tpu.vector_load %arg6[%get3A_373, %get3A_374] {strides = array<i32>} : memref<128x200xi32, #tpu.memory_space<vmem>>, vector<16xi32>,
          %gather3A_376 = tpu.vector_load_idx %arg7[%get3A_375] : memref<1000xf32, #tpu.memory_space<vmem>>[vector<16xi32>], vector<16xf32>,
          %add3A_377 = arith.addf %add3A_367, %gather3A_376 : vector<16xf32>
          %get3A_378 = arith.index_cast %add3A_332 : i32 to index
          %get3A_379 = arith.constant 144 : index
          %get3A_380 = tpu.vector_load %arg6[%get3A_378, %get3A_379] {strides = array<i32>} : memref<128x200xi32, #tpu.memory_space<vmem>>, vector<16xi32>,
          %gather3A_381 = tpu.vector_load_idx %arg7[%get3A_380] : memref<1000xf32, #tpu.memory_space<vmem>>[vector<16xi32>], vector<16xf32>,
          %add3A_382 = arith.addf %add3A_372, %gather3A_381 : vector<16xf32>
          %get3A_383 = arith.index_cast %add3A_332 : i32 to index
          %get3A_384 = arith.constant 160 : index
          %get3A_385 = tpu.vector_load %arg6[%get3A_383, %get3A_384] {strides = array<i32>} : memref<128x200xi32, #tpu.memory_space<vmem>>, vector<16xi32>,
          %gather3A_386 = tpu.vector_load_idx %arg7[%get3A_385] : memref<1000xf32, #tpu.memory_space<vmem>>[vector<16xi32>], vector<16xf32>,
          %add3A_387 = arith.addf %add3A_377, %gather3A_386 : vector<16xf32>
          %get3A_388 = arith.index_cast %add3A_332 : i32 to index
          %get3A_389 = arith.constant 176 : index
          %get3A_390 = tpu.vector_load %arg6[%get3A_388, %get3A_389] {strides = array<i32>} : memref<128x200xi32, #tpu.memory_space<vmem>>, vector<16xi32>,
          %gather3A_391 = tpu.vector_load_idx %arg7[%get3A_390] : memref<1000xf32, #tpu.memory_space<vmem>>[vector<16xi32>], vector<16xf32>,
          %add3A_392 = arith.addf %add3A_382, %gather3A_391 : vector<16xf32>
          %get3A_393 = arith.index_cast %add3A_332 : i32 to index
          %get3A_394 = arith.constant 184 : index
          %get3A_395 = tpu.vector_load %arg6[%get3A_393, %get3A_394] {strides = array<i32>} : memref<128x200xi32, #tpu.memory_space<vmem>>, vector<16xi32>,
          %jit3A_396 = arith.constant 0 : i32
          %broadcast_in_dim3A_397 = vector.broadcast %jit3A_396 : i32 to vector<16xi32>
          %select_n3A_398 = arith.select %ge3A_5, %get3A_395, %broadcast_in_dim3A_397 : vector<16xi1>, vector<16xi32>
          %gather3A_399 = tpu.vector_load_idx %arg7[%select_n3A_398] : memref<1000xf32, #tpu.memory_space<vmem>>[vector<16xi32>], vector<16xf32>,
          %mul3A_400 = arith.mulf %gather3A_399, %convert_element_type3A_6 : vector<16xf32>
          %add3A_401 = arith.addf %add3A_392, %mul3A_400 : vector<16xf32>
          %add3A_402 = arith.addf %add3A_387, %add3A_401 : vector<16xf32>
          %reduce_sum3A_403 = arith.constant true
          %reduce_sum3A_404 = vector.broadcast %reduce_sum3A_403 : i1 to vector<16xi1>
          %reduce_sum3A_405 = tpu.scan <sum>, %add3A_402 masked %reduce_sum3A_404 : vector<16xf32>, vector<16xi1> -> vector<16xf32>
          %reduce_sum3A_406 = vector.extract %reduce_sum3A_405[15] : f32 from vector<16xf32>
          %eq3A_407 = vector.broadcast %add3A_331 : i32 to vector<16xi32>
          %eq3A_408 = arith.cmpi eq, %iota3A, %eq3A_407 : vector<16xi32>
          %broadcast_in_dim3A_409 = vector.broadcast %reduce_sum3A_406 : f32 to vector<16xf32>
          %select_n3A_410 = arith.select %eq3A_408, %broadcast_in_dim3A_409, %select_n3A_327 : vector<16xi1>, vector<16xf32>
          scf.yield %select_n3A_410 : vector<16xf32>
        }
        %scan3A_71 = arith.constant 4 : i32
        %neg3A = arith.constant 0.000000e+00 : f32
        %neg3A_72 = vector.broadcast %neg3A : f32 to vector<16xf32>
        %neg3A_73 = arith.subf %neg3A_72, %scan3A_70 : vector<16xf32>
        %exp3A = math.exp %neg3A_73 : vector<16xf32>
        %add3A_74 = arith.constant 1.000000e+00 : f32
        %add3A_75 = vector.broadcast %add3A_74 : f32 to vector<16xf32>
        %add3A_76 = arith.addf %add3A_75, %exp3A : vector<16xf32>
        %div3A = arith.constant 1.000000e+00 : f32
        %div3A_77 = vector.broadcast %div3A : f32 to vector<16xf32>
        %div3A_78 = arith.divf %div3A_77, %add3A_76 : vector<16xf32>
        %mul3A_79 = arith.constant 128 : i32
        %mul3A_80 = arith.muli %add3A_49, %mul3A_79 : i32
        %add3A_81 = arith.addi %mul3A_80, %mul3A_65 : i32
        %swap3A = arith.index_cast %add3A_81 : i32 to index
        %swap3A_82 = tpu.vector_load %arg8[%swap3A] {strides = array<i32>} : memref<512xf32, #tpu.memory_space<vmem>>, vector<16xf32>,
        tpu.vector_store %arg8[%swap3A], %div3A_78 {strides = array<i32>} : memref<512xf32, #tpu.memory_space<vmem>>, vector<16xf32>,
      }
      %scan3A_55 = arith.constant 8 : i32
      %add3A_56 = arith.constant 3 : i32
      %add3A_57 = arith.addi %mul3A_25, %add3A_56 : i32
      %lt3A_58 = arith.constant 4 : i32
      %lt3A_59 = arith.cmpi slt, %add3A_57, %lt3A_58 : i32
      %convert_element_type3A_60 = arith.extui %lt3A_59 : i1 to i32
      %cond3A_61 = arith.constant 0 : i32
      %cond3A_62 = arith.cmpi ne, %convert_element_type3A_60, %cond3A_61 : i32
      scf.if %cond3A_62 {
        %mul3A_63 = arith.constant 128 : i32
        %mul3A_64 = arith.muli %add3A_57, %mul3A_63 : i32
        %add3A_65 = arith.addi %mul3A_2, %mul3A_64 : i32
        %dma_start3A_66 = arith.constant 0 : i32
        %dma_start3A_67 = tpu.memref_slice %arg2[%add3A_65, %dma_start3A_66] : memref<16384x200xi32, #tpu.memory_space<hbm>> -> memref<128x200xi32, #tpu.memory_space<hbm>>
        %dma_start3A_68 = arith.constant 0 : i32
        %dma_start3A_69 = tpu.memref_slice %arg2[%add3A_65, %dma_start3A_68] : memref<16384x200xi32, #tpu.memory_space<hbm>> -> memref<128x200xi32, #tpu.memory_space<hbm>>
        tpu.enqueue_dma source(%dma_start3A_69 : memref<128x200xi32, #tpu.memory_space<hbm>>) target(%arg6 : memref<128x200xi32, #tpu.memory_space<vmem>>) target_semaphore(%arg10 : memref<!tpu.dma_semaphore, #tpu.memory_space<semaphore_mem>>)
      } else {
      }
    }
    %scan3A_22 = arith.constant 2 : i32
    "tpu.region"() ({
      %run_scoped3A = tpu.sem_alloc : memref<!tpu.dma_semaphore, #tpu.memory_space<semaphore_mem>>
      %dma_start3A_23 = tpu.memref_slice %arg4[%mul3A_2] : memref<16384xf32, #tpu.memory_space<hbm>> -> memref<512xf32, #tpu.memory_space<hbm>>
      %dma_start3A_24 = tpu.memref_slice %arg4[%mul3A_2] : memref<16384xf32, #tpu.memory_space<hbm>> -> memref<512xf32, #tpu.memory_space<hbm>>
      tpu.enqueue_dma source(%arg8 : memref<512xf32, #tpu.memory_space<vmem>>) target(%dma_start3A_24 : memref<512xf32, #tpu.memory_space<hbm>>) target_semaphore(%run_scoped3A : memref<!tpu.dma_semaphore, #tpu.memory_space<semaphore_mem>>)
      %dma_wait3A = tpu.memref_slice %arg4[%mul3A_2] : memref<16384xf32, #tpu.memory_space<hbm>> -> memref<512xf32, #tpu.memory_space<hbm>>
      %dma_wait3A_25 = tpu.memref_slice %arg4[%mul3A_2] : memref<16384xf32, #tpu.memory_space<hbm>> -> memref<512xf32, #tpu.memory_space<hbm>>
      tpu.wait_dma2 semaphore(%run_scoped3A : memref<!tpu.dma_semaphore, #tpu.memory_space<semaphore_mem>>) src(%arg8 : memref<512xf32, #tpu.memory_space<vmem>>) dst(%dma_wait3A_25 : memref<512xf32, #tpu.memory_space<hbm>>)
      tpu.yield
    }) : () -> ()
    return
  }
}

module attributes {stable_mosaic.version = 14 : i64} {
  func.func @_table_body(%arg0: memref<1000x128xf32, #tpu.memory_space<vmem>>, %arg1: memref<1x128xf32, #tpu.memory_space<vmem>>, %arg2: memref<1xf32, #tpu.memory_space<smem>>, %arg3: memref<1000x1xf32, #tpu.memory_space<vmem>>) attributes {dimension_semantics = [], scalar_prefetch = 0 : i64, scratch_operands = 0 : i64, tpu.core_type = #tpu.core_type<tc>} {
    %get3A = arith.constant 0 : index
    %get3A_0 = arith.constant 0 : index
    %get3A_1 = vector.load %arg0[%get3A, %get3A_0] : memref<1000x128xf32, #tpu.memory_space<vmem>>, vector<1000x128xf32>
    %get3A_2 = arith.constant 0 : index
    %get3A_3 = arith.constant 0 : index
    %get3A_4 = vector.load %arg1[%get3A_2, %get3A_3] : memref<1x128xf32, #tpu.memory_space<vmem>>, vector<1x128xf32>
    %mul3A = vector.broadcast %get3A_4 : vector<1x128xf32> to vector<1000x128xf32>
    %mul3A_5 = arith.mulf %get3A_1, %mul3A : vector<1000x128xf32>
    %reduce_sum3A = arith.constant dense<0.000000e+00> : vector<1000xf32>
    %reduce_sum3A_6 = vector.multi_reduction <add>, %mul3A_5, %reduce_sum3A [1] : vector<1000x128xf32> to vector<1000xf32>
    %broadcast_in_dim3A = vector.shape_cast %reduce_sum3A_6 : vector<1000xf32> to vector<1000x1xf32>
    %get3A_7 = arith.constant 0 : index
    %get3A_8 = memref.load %arg2[%get3A_7] : memref<1xf32, #tpu.memory_space<smem>>
    %add3A = vector.broadcast %get3A_8 : f32 to vector<1000x1xf32>
    %add3A_9 = arith.addf %broadcast_in_dim3A, %add3A : vector<1000x1xf32>
    %mul3A_10 = arith.constant 5.000000e-03 : f32
    %mul3A_11 = vector.broadcast %mul3A_10 : f32 to vector<1000x1xf32>
    %mul3A_12 = arith.mulf %add3A_9, %mul3A_11 : vector<1000x1xf32>
    %swap3A = arith.constant 0 : index
    %swap3A_13 = arith.constant 0 : index
    %swap3A_14 = vector.load %arg3[%swap3A, %swap3A_13] : memref<1000x1xf32, #tpu.memory_space<vmem>>, vector<1000x1xf32>
    tpu.vector_store %arg3[%swap3A, %swap3A_13], %mul3A_12 {strides = array<i32>} : memref<1000x1xf32, #tpu.memory_space<vmem>>, vector<1000x1xf32>,
    return
  }
}

</mosaic_0001>

<sc_bundles>
// kernel: kernel.4.cloned.1.call-start
scs
__scs_entry_jumppad:
0x0: {  	(pc) =	sbr.rel $0x88, $3  }
0x1: {  	(tag) =	ssettag $0x0;
	lr =	simm.s32 $0x1  }
0x2: {  	[smem:$0x3F9D] =	sst lr;
	_ =	strace $0xD0000000  }
0x3: {  	_ = 	snop  }
0x4: {  	_ = 	snop  }
0x5: {  	_ = 	snop  }
0x6: {  	_ = 	snop  }
0x7: {  	_ = 	snop  }
__scs_overlays_trampoline_lowered:
0x8: {  	[smem:$0x3FAC] =	sst s0  }
0x9: {  	[smem:$0x3FAD] =	sst s1  }
0xa: {  	[smem:$0x3FAE] =	sst s2  }
0xb: {  	[smem:$0x3FAF] =	sst s3  }
0xc: {  	[smem:$0x3FB0] =	sst s4  }
0xd: {  	[smem:$0x3FB1] =	sst s5  }
0xe: {  	[smem:$0x3FB2] =	sst s6  }
0xf: {  	[smem:$0x3FB3] =	sst s7  }
0x10: {  	[smem:$0x3FB4] =	sst s8  }
0x11: {  	[smem:$0x3FB5] =	sst s9;
	s0 =	simm.s32 @!p0 $0x0  }
0x12: {  	s1 =	sld [smem:$0x3F9B];
	s0 =	simm.s32 @p0 $0x1  }
0x13: {  	[smem:$0x3FB6] =	sst s0;
	s0 =	simm.s32 @!p1 $0x0  }
0x14: {  	s2 =	sld [smem:$0x3F9A];
	s0 =	simm.s32 @p1 $0x1  }
0x15: {  	[smem:$0x3FB7] =	sst s0;
	s0 =	simm.s32 @!p2 $0x0  }
0x16: {  	s3 =	sld [smem:$0x3FDB];
	s0 =	simm.s32 @p2 $0x1  }
0x17: {  	s4 =	simm.s32 $0x1BF5;
	[smem:$0x3FB9] =	sst s0  }
0x18: {  	s0 =	sld [smem:$0x3F9C];
	_ =	swait.ge [sflag:s4], $0x0  }
0x19: {  	s7 =	sld [smem:$0x3F9D]  }
0x1a: {  	s8 =	sadd.s32 $0xFFFFE003, lr  }
0x1b: {  	s9 =	sadd.s32 $0xFFFFFEF7, lr;
	s5 =	simm.s32 $0xFFFFFFFF;
	p2 =	slt.u32 s8, $0xFFFFF086  }
0x1c: {  	p1 =	slt.u32 s9, $0xF7A;
	s5 =	simm.s32 @!p2 $0x0  }
0x1d: {  	s5 =	simm.s32 @p1 $0x1;
	p0 =	seq.s32 s7, s2  }
0x1e: {  	s7 =	smul.u32 @!p0 $0xF7A, s2;
	p2 =	seq.s32 @!p0 s5, $0x0  }
0x1f: {  	s9 =	smul.u32 $0xF7A, s1;
	s8 =	simm.s32 @!p0 $0x1BF5;
	p2 =	por !p2, p0  }
0x20: {  	[sflag:s8] =	ssyncset.s32 @!p0 $0xFFFFF086;
	s6 =	sadd.s32 @!p0 s3, s7;
	s7 =	simm.s32 @!p0 $0x108  }
0x21: {  	s3 =	sadd.s32 s3, s9;
	s6 =	sadd.s32 @!p0 $0x88, s6;
	s7 =	simm.s32 @p2 $0x1082  }
0x22: {  	[simem:s7], [sflag:s8] =	dma.local @!p0 [hbm:s6], $0xF7A  }
0x23: {  	s9 =	sor.u32 $0xD0000000, s2;
	s6 =	simm.s32 $0x108;
	_ =	swait.ge @!p0 [sflag:s8], $0x0  }
0x24: {  	s3 =	sadd.s32 $0x88, s3;
	s6 =	simm.s32 @!p1 $0x1082;
	[sflag:s4] =	ssyncset.s32 $0xFFFFF086  }
0x25: {  	[simem:s6], [sflag:s4] =	dma.local [hbm:s3], $0xF7A  }
0x26: {  	[smem:$0x3F9D] =	sst s1;
	(tag) =	ssettag s2;
	_ =	strace s9  }
0x27: {  	s1 =	sld [smem:$0x3FAD]  }
0x28: {  	s2 =	sld [smem:$0x3FAE]  }
0x29: {  	s4 =	sld [smem:$0x3FB0]  }
0x2a: {  	p0 =	seq.s32 s5, $0x0;
	s5 =	sld [smem:$0x3FB1]  }
0x2b: {  	s6 =	sld [smem:$0x3FB2]  }
0x2c: {  	s7 =	sld [smem:$0x3FB3]  }
0x2d: {  	s3 =	simm.s32 $0x108;
	s8 =	sld [smem:$0x3FB4]  }
0x2e: {  	s3 =	simm.s32 @!p0 $0x1082;
	s9 =	sld [smem:$0x3FB5]  }
0x2f: {  	lr =	sadd.s32 s0, s3;
	s0 =	sld [smem:$0x3FAC]  }
0x30: {  	s3 =	sld [smem:$0x3FAF]  }
0x31: {  	[smem:$0x3FB8] =	sst s10  }
0x32: {  	s10 =	sld [smem:$0x3FB6];
	_ =	sdelay $0x3  }
0x33: {  	p0 =	seq.s32 s10, $0x1;
	s10 =	sld [smem:$0x3FB8];
	_ =	sdelay $0x3  }
0x34: {  	[smem:$0x3FB8] =	sst s10  }
0x35: {  	s10 =	sld [smem:$0x3FB7];
	_ =	sdelay $0x3  }
0x36: {  	p1 =	seq.s32 s10, $0x1;
	s10 =	sld [smem:$0x3FB8];
	_ =	sdelay $0x3  }
0x37: {  	[smem:$0x3FB8] =	sst s10  }
0x38: {  	s10 =	sld [smem:$0x3FB9]  }
0x39: {  	_ = 	snop;
	(pc) =	sbr.ind lr, $3  }
0x3a: {  	_ = 	snop  }
0x3b: {  	_ = 	snop  }
0x3c: {  	p2 =	seq.s32 s10, $0x1;
	s10 =	sld [smem:$0x3FB8]  }
0x3d: {  	_ =	shalt  }
0x3e: {  	_ =	shalt  }
0x3f: {  	_ =	shalt  }
0x40: {  	_ =	shalt  }
0x41: {  	_ =	shalt  }
0x42: {  	_ =	shalt  }
0x43: {  	_ =	shalt  }
0x44: {  	_ =	shalt  }
0x45: {  	_ =	shalt  }
0x46: {  	_ =	shalt  }
0x47: {  	_ =	shalt  }
0x48: {  	_ =	shalt  }
0x49: {  	_ =	shalt  }
0x4a: {  	_ =	shalt  }
0x4b: {  	_ =	shalt  }
0x4c: {  	_ =	shalt  }
0x4d: {  	_ =	shalt  }
0x4e: {  	_ =	shalt  }
0x4f: {  	_ =	shalt  }
0x50: {  	_ =	shalt  }
0x51: {  	_ =	shalt  }
0x52: {  	_ =	shalt  }
0x53: {  	_ =	shalt  }
0x54: {  	_ =	shalt  }
0x55: {  	_ =	shalt  }
0x56: {  	_ =	shalt  }
0x57: {  	_ =	shalt  }
0x58: {  	_ =	shalt  }
0x59: {  	_ =	shalt  }
0x5a: {  	_ =	shalt  }
0x5b: {  	_ =	shalt  }
0x5c: {  	_ =	shalt  }
0x5d: {  	_ =	shalt  }
0x5e: {  	_ =	shalt  }
0x5f: {  	_ =	shalt  }
0x60: {  	_ =	shalt  }
0x61: {  	_ =	shalt  }
0x62: {  	_ =	shalt  }
0x63: {  	_ =	shalt  }
0x64: {  	_ =	shalt  }
0x65: {  	_ =	shalt  }
0x66: {  	_ =	shalt  }
0x67: {  	_ =	shalt  }
0x68: {  	_ =	shalt  }
0x69: {  	_ =	shalt  }
0x6a: {  	_ =	shalt  }
0x6b: {  	_ =	shalt  }
0x6c: {  	_ =	shalt  }
0x6d: {  	_ =	shalt  }
0x6e: {  	_ =	shalt  }
0x6f: {  	_ =	shalt  }
0x70: {  	_ =	shalt  }
0x71: {  	_ =	shalt  }
0x72: {  	_ =	shalt  }
0x73: {  	_ =	shalt  }
0x74: {  	_ =	shalt  }
0x75: {  	_ =	shalt  }
0x76: {  	_ =	shalt  }
0x77: {  	_ =	shalt  }
0x78: {  	_ =	shalt  }
0x79: {  	_ =	shalt  }
0x7a: {  	_ =	shalt  }
0x7b: {  	_ =	shalt  }
0x7c: {  	_ =	shalt  }
0x7d: {  	_ =	shalt  }
0x7e: {  	_ =	shalt  }
0x7f: {  	_ =	shalt  }
0x80: {  	_ =	shalt  }
0x81: {  	_ =	shalt  }
0x82: {  	_ =	shalt  }
0x83: {  	_ =	shalt  }
0x84: {  	_ =	shalt  }
0x85: {  	_ =	shalt  }
0x86: {  	_ =	shalt  }
0x87: {  	_ =	shalt  }
.Lfunc_end0:
.L_simem_size_0:
called_computation_lowered:
.L_overlay_start_0:
0x88: {  	s2 =	sld [smem:$0x3FD9]  }
0x89: {  	s3 =	sld [smem:$0x3FFE];
	_ =	sdelay $0x1  }
0x8a: {  	s1 =	srdreg.scid  }
0x8b: {  	s0 =	sand.u32 $0x1, s1  }
0x8c: {  	s17 =	sshll.u32 s0, $0xA;
	s2 =	sadd.s32 s3, s2  }
0x8d: {  	s2 =	sadd.s32 s2, s17  }
0x8e: {  	[smem:$0x3FC4] =	sst s2  }
0x8f: {  	_ = 	snop  }
0x90: {  	s2 =	sld [smem:$0x3FD0];
	(tm) =	ssettm $0x1  }
0x91: {  	s18 =	sld [smem:$0x3FFB];
	_ =	sdelay $0x3  }
0x92: {  	_ =	strace s18  }
0x93: {  	s3 =	sld [smem:$0x3FFC];
	_ =	sdelay $0x3  }
0x94: {  	_ =	strace s3  }
0x95: {  	s3 =	sld [smem:$0x3FFD];
	_ =	sdelay $0x3  }
0x96: {  	_ =	strace s3  }
0x97: {  	_ =	strace $0x8FFFFFFF  }
0x98: {  	s19 =	sld [smem:$0x3FDB];
	_ =	sdelay $0x1  }
0x99: {  	s4 =	simm.s32 $_scs_section_size  }
0x9a: {  	s5 =	simm.s32 $_size__tile_overlayer_lowered;
	s6 =	simm.s32 $_tile_overlayer_lowered  }
0x9b: {  	s22 =	simm.s32 $0x1BFF;
	s21 =	sshll.u32 s6, $0x1;
	s3 =	sadd.s32 s4, s19  }
0x9c: {  	s7 =	simm.s32 $0x0;
	s20 =	sshll.u32 s5, $0x1;
	s5 =	sadd.s32 s21, s3  }
0x9d: {  	[timem:s7], [sflag:s22] =	dma.local [hbm:s5], s20  }
0x9e: {  	_ =	swait.ge [sflag:s22], s20  }
0x9f: {  	s4 =	ssub.s32 $0x0, s20;
	[sflag:s22] =	ssyncset.done $0x0  }
0xa0: {  	[sflag:s22] =	ssyncadd.s32 s4;
	_ =	sdelay $0x1  }
0xa1: {  	s23 =	simm.s32 $0x1B8B  }
0xa2: {  	_ =	swait.ge [sflag:s23], $0x1  }
0xa3: {  	[sflag:s23] =	ssyncset.done $0x0  }
0xa4: {  	s25 =	simm.s32 $0x1B8E;
	s24 =	sld [smem:$0x3FFE];
	[sflag:s23] =	ssyncadd.s32 $0xFFFFFFFF  }
0xa5: {  	s26 =	simm.s32 $execute0_lowered;
	[smem:$0x3FD2] =	sst s25  }
0xa6: {  	s5 =	sshll.u32 s26, $0x1;
	_ =	strace $0x80000046;
	[dreg:$0x1] =	wrdreg $0xFFFFFFFF  }
0xa7: {  	s28 =	simm.s32 $_size_execute0_lowered;
	s3 =	sadd.s32 s3, s5;
	[dreg:$0x0] =	wrdreg $0x0  }
0xa8: {  	s5 =	sshll.u32 s28, $0x1;
	[dreg:$0x2] =	wrdreg s3  }
0xa9: {  	[dreg:$0x3] =	wrdreg s5  }
0xaa: {  	[dreg:$0x4] =	wrdreg $0xC0  }
0xab: {  	_ =	task [dreg:s7], $0x5FFFF  }
0xac: {  	[dreg:$0x1] =	wrdreg $0xFFFFFFFF  }
0xad: {  	[dreg:$0x0] =	wrdreg $0x60  }
0xae: {  	[dreg:$0x2] =	wrdreg s24  }
0xaf: {  	[dreg:$0x3] =	wrdreg s2  }
0xb0: {  	[dreg:$0x4] =	wrdreg $0x9  }
0xb1: {  	_ =	task.clear_ibuf [dreg:s7], $0x5FFFF;
	_ =	strace $0x90000046  }
0xb2: {  	s29 =	simm.s32 $0x9;
	_ =	strace $0x80000048  }
0xb3: {  	_ =	swait.ge [sflag:s29], $0x1  }
0xb4: {  	[sflag:s29] =	ssyncadd.s32 $0xFFFFFFFF  }
0xb5: {  	_ =	strace $0x90000048  }
0xb6: {  	_ =	sfence  }
0xb7: {  	s30 =	sld [smem:$0x0];
	_ =	sdelay $0x2  }
0xb8: {  	s31 =	sshll.u32 s1, $0xD;
	s1 =	sshrl.u32 s1, $0x2  }
0xb9: {  	s3 =	sand.u32 $0x4000, s31;
	s1 =	sadd.s32 s1, s30  }
0xba: {  	s0 =	sor.u32 s3, s0;
	s1 =	sshll.u32 s1, $0x11  }
0xbb: {  	s0 =	sor.u32 s1, s0  }
0xbc: {  	s0 =	sadd.s32 $0x8F2B, s0  }
0xbd: {  	[sflag:s0] =	ssyncadd.remote.s32 $0x1  }
0xbe: {  	_ =	sfence.sel $0xFFFF  }
0xbf: {  	[dreg:$0x0] =	wrdreg $0xFFFFFFFF;
	(pc) =	sbr.abs _section_cstart, $3  }
0xc0: {  	[dreg:$0x1] =	wrdreg $0xFFFFFFFF  }
0xc1: {  	_ =	task.clear_ibuf [dreg:s7], $0x2FFFF;
	_ =	strace $0x9FFFFFFF  }
0xc2: {  	(tm) =	ssettm $0x7FFFFFFF  }
0xc3: {  	_ =	shalt  }
tec
execute0_lowered:
.L_overlay_start_1:
0x0: {  	(tag) =	ssettag $0x1  }
0x1: {  	s8 =	rddreg [dreg:$0x0]  }
0x2: {  	s9 =	rddreg [dreg:$0x1]  }
0x3: {  	s2 =	srdreg.scid;
	s1 =	stileid.u32  }
0x4: {  	s12 =	simm.s32 $0x3;
	s13 =	simm.s32 $0x8000;
	s14 =	simm.s32 $0x1  }
0x5: {  	s15 =	simm.s32 $0x2;
	s16 =	simm.s32 $0x10400;
	s17 =	simm.s32 $0x0  }
0x6: {  	s4 =	sand.u32 $0x1, s2;
	s2 =	simm.s32 $0x0;
	s3 =	sshll.u32 s1, $0xA  }
0x7: {  	s5 =	sshll.u32 s4, $0x9;
	[smem:$0x7FF] =	sst s2;
	s31 =	ssub.s32 $0x2, s4  }
0x8: {  	s4 =	sadd.s32 $0x80400, s8;
	s10 =	sor.u32 s5, s3;
	s6 =	sshrl.u32 s31, $0x1  }
0x9: {  	_ =	strace $0x80000047;
	s3 =	sshll.u32 s10, $0x5;
	s11 =	ssub.s32 s31, s6  }
0xa: {  	s6 =	sadd.s32 $0x1400, s8;
	s10 =	sshrl.u32 s10, $0x3;
	s7 =	sadd.s32 s3, s8  }
0xb: {  	v0 =	vimm.f32 $1.000000000e+00;
	vm1 =	vcmask $0x1F00;
	s8 =	sadd.s32 $0x3400, s8;
	s9 =	sadd.s32 s9, s10;
	s10 =	smax.u32 s11, $0x1  }
0xc: {  	vm0 =	vmmov $0xff;
	v1 =	vlaneseq.u32;
	v0 =	vsel vm1, $0x0, v0;
	s11 =	simm.s32 $0x10000;
	s5 =	sadd.s32 $0x400, s7;
	s7 =	sadd.s32 $0x2400, s7  }
.LBB2_1:
0xd: {  	[tilespmem:s2], [sflag:$0x1] =	stream.linear.gather [hbm4b:s5+s2], $0x8000, $0x38;
	[tilespmem:$0x10600] =	vst v63  }
0xe: {  	_ = 	snop  }
0xf: {  	[tilespmem:s11], [sflag:$0x3] =	stream.linear.gather [hbm4b:s4+s2], $0x400, $0x38;
	[tilespmem:$0x10600] =	vst v63  }
0x10: {  	_ =	swait.ge [sflag:s12], $0x400  }
0x11: {  	p1 =	por $0x1, $0x1;
	[sflag:s12] =	ssyncset.done $0x0  }
0x12: {  	s19 =	smov.u32 s6;
	s18 =	simm.s32 $0x0;
	[sflag:s12] =	ssyncadd.s32 $0xFFFFFC00  }
.LBB2_2:
0x13: {  	s20 =	sadd.s32 s3, s19;
	s19 =	simm.s32 $0x0;
	s18 =	sshra.s32 s18, $0x2  }
0x14: {  	[tilespmem:s13], [sflag:$0x2] =	stream.linear.gather [hbm4b:s20+s19], $0x8000, $0x38;
	[tilespmem:$0x10600] =	vst v63  }
0x15: {  	s31 =	sadd.s32 $0x10400, s18;
	_ =	swait.ge [sflag:s14], $0x8000  }
0x16: {  	p0 =	por p1, p1;
	v2 =	vmov s31;
	[sflag:s14] =	ssyncset.done $0x0  }
0x17: {  	s21 =	simm.s32 $0x0;
	s20 =	simm.s32 $0x0;
	[tilespmem:$0x1FFF0] =	vst v2;
	[sflag:s14] =	ssyncadd.s32 $0xFFFF8000  }
.LBB2_3:
0x18: {  	s22 =	simm.s32 $0x180  }
0x19: {  	s23 =	sand.u32 $0x7800, s20;
	s24 =	simm.s32 $0x100;
	s22 =	sand.u32 $0x380, s22  }
0x1a: {  	s25 =	simm.s32 $0x80;
	s24 =	sand.u32 $0x300, s24;
	s22 =	sor.u32 s22, s23  }
0x1b: {  	s25 =	sand.u32 $0x280, s25;
	s24 =	sor.u32 s24, s23;
	v20 =	vld [tilespmem:s22+$0x420]  }
0x1c: {  	s25 =	sor.u32 s25, s23;
	v21 =	vld [tilespmem:s24+$0x420]  }
0x1d: {  	v5 =	vld [tilespmem:s25+$0x420]  }
0x1e: {  	v6 =	vld [tilespmem:s22+$0x400]  }
0x1f: {  	v7 =	vld [tilespmem:s22+$0x430]  }
0x20: {  	v8 =	vld [tilespmem:s24+$0x400]  }
0x21: {  	v9 =	vld [tilespmem:s24+$0x430]  }
0x22: {  	v10 =	vld [tilespmem:s25+$0x400]  }
0x23: {  	v11 =	vld [tilespmem:s25+$0x430]  }
0x24: {  	v12 =	vld [tilespmem:s22+$0x60]  }
0x25: {  	v13 =	vld [tilespmem:s22+$0x410]  }
0x26: {  	v14 =	vld [tilespmem:s22+$0x438]  }
0x27: {  	v15 =	vld [tilespmem:s24+$0x60]  }
0x28: {  	s26 =	sand.u32 $0x200, s19;
	v16 =	vld [tilespmem:s24+$0x410]  }
0x29: {  	s23 =	sor.u32 s26, s23;
	v17 =	vld [tilespmem:s24+$0x438]  }
0x2a: {  	v18 =	vld [tilespmem:s23+$0x60]  }
0x2b: {  	v19 =	vld [tilespmem:s25+$0x60]  }
0x2c: {  	v23 =	vld [tilespmem:s25+$0x410]  }
0x2d: {  	v24 =	vld [tilespmem:s25+$0x438]  }
0x2e: {  	v25 =	vld [tilespmem:s22+$0x40]  }
0x2f: {  	v26 =	vld [tilespmem:s22+$0x70]  }
0x30: {  	v32 =	vld [tilespmem:s24+$0x40]  }
0x31: {  	v33 =	vld [tilespmem:s24+$0x70]  }
0x32: {  	v36 =	vld [tilespmem:s23+$0x40]  }
0x33: {  	v37 =	vld [tilespmem:s23+$0x70]  }
0x34: {  	v38 =	vld [tilespmem:s25+$0x40]  }
0x35: {  	v39 =	vld [tilespmem:s25+$0x70]  }
0x36: {  	v42 =	vld [tilespmem:s22+$0x20]  }
0x37: {  	v43 =	vld [tilespmem:s22+$0x50]  }
0x38: {  	v44 =	vld [tilespmem:s24+$0x20]  }
0x39: {  	v45 =	vld [tilespmem:s24+$0x50]  }
0x3a: {  	v46 =	vld [tilespmem:s23+$0x20]  }
0x3b: {  	v47 =	vld [tilespmem:s23+$0x50]  }
0x3c: {  	v48 =	vld [tilespmem:s25+$0x20]  }
0x3d: {  	v49 =	vld [tilespmem:s25+$0x50]  }
0x3e: {  	v50 =	vld [tilespmem:s22+$0x0]  }
0x3f: {  	v51 =	vld [tilespmem:s22+$0x30]  }
0x40: {  	v52 =	vld [tilespmem:s24+$0x0]  }
0x41: {  	v53 =	vld [tilespmem:s24+$0x30]  }
0x42: {  	v54 =	vld [tilespmem:s23+$0x0]  }
0x43: {  	v55 =	vld [tilespmem:s23+$0x30]  }
0x44: {  	v56 =	vld [tilespmem:s25+$0x0]  }
0x45: {  	p1 =	por $0x0, $0x0;
	s26 =	simm.s32 $0x1;
	v57 =	vld [tilespmem:s25+$0x30]  }
0x46: {  	s26 =	simm.s32 @!p1 $0x0;
	v58 =	vld [tilespmem:s22+$0x10]  }
0x47: {  	v59 =	vld [tilespmem:s24+$0x10];
	s0 =	sshll.u32 s26, $0x9  }
0x48: {  	v60 =	vld [tilespmem:s23+$0x10];
	s22 =	sadd.s32 s0, s20  }
0x49: {  	v61 =	vld [tilespmem:s25+$0x10];
	s24 =	sor.u32 $0x420, s22  }
0x4a: {  	s28 =	sor.u32 $0x410, s22;
	v62 =	vld [tilespmem:s24+$0x0]  }
0x4b: {  	s25 =	sor.u32 $0x400, s22;
	s26 =	sor.u32 $0x430, s22;
	s22 =	sor.u32 $0x438, s22;
	v3 =	vld [tilespmem:s28+$0x0]  }
0x4c: {  	v4 =	vld [tilespmem:s22+$0x0];
	s22 =	sadd.s32 $0x400, s20;
	s28 =	simm.s32 $0x200  }
0x4d: {  	v63 =	vld [tilespmem:s25+$0x0];
	s30 =	sand.u32 $0x7800, s22;
	s28 =	sand.u32 $0x200, s28  }
0x4e: {  	v2 =	vld [tilespmem:s26+$0x0];
	s26 =	sor.u32 s28, s30  }
0x4f: {  	v40 =	vld [tilespmem:s26+$0x40]  }
0x50: {  	v20 =	vld.idx.msk [tilespmem:v20+s11+$0x0], $0xffff  }
0x51: {  	v6 =	vld.idx.msk [tilespmem:v6+s11+$0x0], $0xffff  }
0x52: {  	v34 =	vld.idx.msk [tilespmem:v18+s11+$0x0], $0xffff  }
0x53: {  	v29 =	vld.idx.msk [tilespmem:v25+s11+$0x0], $0xffff  }
0x54: {  	v32 =	vld.idx.msk [tilespmem:v32+s11+$0x0], $0xffff  }
0x55: {  	v27 =	vld.idx.msk [tilespmem:v36+s11+$0x0], $0xffff  }
0x56: {  	v28 =	vld.idx.msk [tilespmem:v38+s11+$0x0], $0xffff  }
0x57: {  	v25 =	vld.idx.msk [tilespmem:v42+s11+$0x0], $0xffff  }
0x58: {  	v36 =	vld.idx.msk [tilespmem:v44+s11+$0x0], $0xffff  }
0x59: {  	v46 =	vld.idx.msk [tilespmem:v46+s11+$0x0], $0xffff  }
0x5a: {  	v48 =	vld.idx.msk [tilespmem:v48+s11+$0x0], $0xffff  }
0x5b: {  	v50 =	vld.idx.msk [tilespmem:v50+s11+$0x0], $0xffff  }
0x5c: {  	v52 =	vld.idx.msk [tilespmem:v52+s11+$0x0], $0xffff  }
0x5d: {  	v54 =	vld.idx.msk [tilespmem:v54+s11+$0x0], $0xffff  }
0x5e: {  	v56 =	vld.idx.msk [tilespmem:v56+s11+$0x0], $0xffff  }
0x5f: {  	v58 =	vld.idx.msk [tilespmem:v58+s11+$0x0], $0xffff  }
0x60: {  	v59 =	vld.idx.msk [tilespmem:v59+s11+$0x0], $0xffff  }
0x61: {  	v60 =	vld.idx.msk [tilespmem:v60+s11+$0x0], $0xffff  }
0x62: {  	v61 =	vld.idx.msk [tilespmem:v61+s11+$0x0], $0xffff  }
0x63: {  	v51 =	vld.idx.msk [tilespmem:v51+s11+$0x0], $0xffff  }
0x64: {  	v53 =	vld.idx.msk [tilespmem:v53+s11+$0x0], $0xffff  }
0x65: {  	v55 =	vld.idx.msk [tilespmem:v55+s11+$0x0], $0xffff  }
0x66: {  	v57 =	vld.idx.msk [tilespmem:v57+s11+$0x0], $0xffff  }
0x67: {  	v38 =	vld.idx.msk [tilespmem:v43+s11+$0x0], $0xffff  }
0x68: {  	v45 =	vld.idx.msk [tilespmem:v45+s11+$0x0], $0xffff  }
0x69: {  	s29 =	simm.s32 $0x380;
	v47 =	vld.idx.msk [tilespmem:v47+s11+$0x0], $0xffff  }
0x6a: {  	s23 =	sand.u32 $0x380, s29;
	s29 =	simm.s32 $0x280;
	v49 =	vld.idx.msk [tilespmem:v49+s11+$0x0], $0xffff  }
0x6b: {  	s0 =	sor.u32 s23, s30;
	s23 =	sand.u32 $0x280, s29;
	v42 =	vld.idx.msk [tilespmem:v26+s11+$0x0], $0xffff  }
0x6c: {  	s23 =	sor.u32 s23, s30;
	v31 =	vld.idx.msk [tilespmem:v39+s11+$0x0], $0xffff  }
0x6d: {  	v30 =	vld [tilespmem:s23+$0x400]  }
0x6e: {  	s31 =	simm.s32 $0x300;
	v35 =	vld [tilespmem:s23+$0x430]  }
0x6f: {  	s25 =	sand.u32 $0x300, s31;
	v44 =	vld [tilespmem:s26+$0x60]  }
0x70: {  	s25 =	sor.u32 s25, s30;
	v39 =	vld [tilespmem:s0+$0x40]  }
0x71: {  	v43 =	vld [tilespmem:s25+$0x40]  }
0x72: {  	v41 =	vld [tilespmem:s23+$0x40]  }
0x73: {  	v3 =	vld.idx.msk [tilespmem:v3+s11+$0x0], $0xffff  }
0x74: {  	v2 =	vld.idx.msk [tilespmem:v2+s11+$0x0], $0xffff  }
0x75: {  	[tilespmem:$0x1FEF0] =	vst v20;
	v20 =	vld.idx.msk [tilespmem:v21+s11+$0x0], $0xffff  }
0x76: {  	[tilespmem:$0x1FEC0] =	vst v6;
	v6 =	vld.idx.msk [tilespmem:v7+s11+$0x0], $0xffff  }
0x77: {  	v21 =	vld.idx.msk [tilespmem:v33+s11+$0x0], $0xffff  }
0x78: {  	v7 =	vsel vm0, $0x0, v14;
	v14 =	vld [tilespmem:s23+$0x70]  }
0x79: {  	v26 =	vadd.f32 $0.0e+00, v52;
	v33 =	vadd.f32 $0.0e+00, v50;
	v50 =	vld [tilespmem:s25+$0x20]  }
0x7a: {  	v52 =	vadd.f32 $0.0e+00, v54;
	v54 =	vadd.f32 $0.0e+00, v56;
	v56 =	vld [tilespmem:s26+$0x20]  }
0x7b: {  	v33 =	vadd.f32 v25, v33;
	v25 =	vld [tilespmem:s26+$0x50]  }
0x7c: {  	v48 =	vadd.f32 v48, v54;
	v54 =	vadd.f32 $0.0e+00, v58;
	v58 =	vld [tilespmem:s23+$0x20]  }
0x7d: {  	[tilespmem:$0x1FED0] =	vst v6;
	v6 =	vld.idx.msk [tilespmem:v8+s11+$0x0], $0xffff  }
0x7e: {  	v4 =	vsel vm0, $0x0, v4;
	v36 =	vadd.f32 v36, v26;
	v26 =	vld [tilespmem:s23+$0x50]  }
0x7f: {  	v40 =	vld.idx.msk [tilespmem:v40+s11+$0x0], $0xffff  }
0x80: {  	v39 =	vld.idx.msk [tilespmem:v39+s11+$0x0], $0xffff  }
0x81: {  	v41 =	vld.idx.msk [tilespmem:v41+s11+$0x0], $0xffff  }
0x82: {  	[tilespmem:$0x1FF00] =	vst v6;
	v6 =	vld.idx.msk [tilespmem:v9+s11+$0x0], $0xffff  }
0x83: {  	[tilespmem:$0x1FF70] =	vst v2;
	v2 =	vld.idx.msk [tilespmem:v4+s11+$0x0], $0xffff  }
0x84: {  	v46 =	vadd.f32 v46, v52;
	v52 =	vadd.f32 $0.0e+00, v59;
	v4 =	vld [tilespmem:s0+$0x420]  }
0x85: {  	v59 =	vadd.f32 $0.0e+00, v60;
	[tilespmem:$0x1FF30] =	vst v3;
	v3 =	vsel vm0, $0x0, v24;
	v24 =	vld [tilespmem:s25+$0x50]  }
0x86: {  	v60 =	vadd.f32 $0.0e+00, v61;
	v52 =	vadd.f32 v53, v52;
	v53 =	vld [tilespmem:s0+$0x0]  }
0x87: {  	[tilespmem:$0x1FF10] =	vst v6;
	v6 =	vld.idx.msk [tilespmem:v10+s11+$0x0], $0xffff  }
0x88: {  	v60 =	vadd.f32 v57, v60;
	v57 =	vld [tilespmem:s0+$0x30]  }
0x89: {  	v61 =	vadd.f32 v55, v59;
	v59 =	vld [tilespmem:s25+$0x0]  }
0x8a: {  	v36 =	vadd.f32 v32, v36;
	v32 =	vld [tilespmem:s25+$0x30]  }
0x8b: {  	v28 =	vadd.f32 v28, v48;
	v48 =	vld [tilespmem:s26+$0x0]  }
0x8c: {  	[tilespmem:$0x1FF90] =	vst v6;
	v6 =	vld.idx.msk [tilespmem:v11+s11+$0x0], $0xffff  }
0x8d: {  	v29 =	vadd.f32 v29, v33;
	v33 =	vld [tilespmem:s26+$0x30]  }
0x8e: {  	v51 =	vadd.f32 v51, v54;
	v54 =	vld [tilespmem:s0+$0x10]  }
0x8f: {  	v55 =	vld [tilespmem:s25+$0x10]  }
0x90: {  	[tilespmem:$0x1FF40] =	vst v20;
	v20 =	vld.idx.msk [tilespmem:v37+s11+$0x0], $0xffff  }
0x91: {  	[tilespmem:$0x1FFA0] =	vst v6;
	v6 =	vld.idx.msk [tilespmem:v12+s11+$0x0], $0xffff  }
0x92: {  	v22 =	vld.idx.msk [tilespmem:v7+s11+$0x0], $0xffff  }
0x93: {  	v37 =	vld [tilespmem:s25+$0x60]  }
0x94: {  	v27 =	vadd.f32 v27, v46;
	v8 =	vsel vm0, $0x0, v17;
	v17 =	vld [tilespmem:s26+$0x70]  }
0x95: {  	v45 =	vadd.f32 v45, v52;
	v38 =	vadd.f32 v38, v51;
	v51 =	vld [tilespmem:s23+$0x0]  }
0x96: {  	v61 =	vadd.f32 v47, v61;
	v47 =	vadd.f32 v49, v60;
	[tilespmem:$0x1FE90] =	vst v6;
	v6 =	vld.idx.msk [tilespmem:v13+s11+$0x0], $0xffff  }
0x97: {  	v38 =	vadd.f32 v42, v38;
	v42 =	vadd.f32 v34, v27;
	v34 =	vld [tilespmem:s23+$0x30]  }
0x98: {  	v21 =	vadd.f32 v21, v45;
	v45 =	vld [tilespmem:$0x1FED0]  }
0x99: {  	v31 =	vadd.f32 v31, v47;
	v47 =	vld [tilespmem:$0x1FEF0]  }
0x9a: {  	[tilespmem:$0x1FF80] =	vst v2;
	v2 =	vld.idx.msk [tilespmem:v23+s11+$0x0], $0xffff  }
0x9b: {  	[tilespmem:$0x1FEB0] =	vst v6;
	v6 =	vld.idx.msk [tilespmem:v15+s11+$0x0], $0xffff  }
0x9c: {  	v23 =	vld [tilespmem:s0+$0x50]  }
0x9d: {  	v7 =	vld.idx.msk [tilespmem:v8+s11+$0x0], $0xffff  }
0x9e: {  	v9 =	vld [tilespmem:s0+$0x400]  }
0x9f: {  	v8 =	vld [tilespmem:s0+$0x438]  }
0xa0: {  	[tilespmem:$0x1FEA0] =	vst v6;
	v6 =	vld.idx.msk [tilespmem:v16+s11+$0x0], $0xffff  }
0xa1: {  	v20 =	vadd.f32 v20, v61;
	v61 =	vld [tilespmem:$0x1FEC0]  }
0xa2: {  	v37 =	vld.idx.msk [tilespmem:v37+s11+$0x0], $0xffff  }
0xa3: {  	[tilespmem:$0x1FF60] =	vst v2;
	v2 =	vld.idx.msk [tilespmem:v62+s11+$0x0], $0xffff  }
0xa4: {  	v62 =	vld [tilespmem:s25+$0x410]  }
0xa5: {  	[tilespmem:$0x1FEE0] =	vst v6;
	v6 =	vld.idx.msk [tilespmem:v19+s11+$0x0], $0xffff  }
0xa6: {  	[tilespmem:$0x1FF20] =	vst v7;
	v7 =	vld.idx.msk [tilespmem:v63+s11+$0x0], $0xffff  }
0xa7: {  	v10 =	vld [tilespmem:s0+$0x430]  }
0xa8: {  	v63 =	vld [tilespmem:s0+$0x60]  }
0xa9: {  	v18 =	vld.idx.msk [tilespmem:v9+s11+$0x0], $0xffff  }
0xaa: {  	v6 =	vadd.f32 v6, v28;
	v28 =	vld [tilespmem:$0x1FEB0]  }
0xab: {  	[tilespmem:$0x1FFC0] =	vst v2;
	v2 =	vld.idx.msk [tilespmem:v3+s11+$0x0], $0xffff  }
0xac: {  	v9 =	vld [tilespmem:s25+$0x438]  }
0xad: {  	v3 =	vld [tilespmem:s23+$0x420]  }
0xae: {  	v27 =	vld [tilespmem:$0x1FEA0]  }
0xaf: {  	v11 =	vld.idx.msk [tilespmem:v4+s11+$0x0], $0xffff;
	v28 =	vadd.f32 v28, v38  }
0xb0: {  	[tilespmem:$0x1FFB0] =	vst v2;
	v2 =	vld.idx.msk [tilespmem:v5+s11+$0x0], $0xffff  }
0xb1: {  	v22 =	vmul.f32 v0, v22;
	v5 =	vld [tilespmem:s25+$0x420];
	v28 =	vadd.f32 v45, v28  }
0xb2: {  	v12 =	vld [tilespmem:s25+$0x400]  }
0xb3: {  	v27 =	vadd.f32 v27, v36;
	v36 =	vadd.f32 v22, v28;
	v28 =	vld [tilespmem:$0x1FF00]  }
0xb4: {  	v60 =	vld [tilespmem:$0x1FE90]  }
0xb5: {  	v4 =	vld [tilespmem:s23+$0x410]  }
0xb6: {  	v46 =	vld [tilespmem:$0x1FEE0]  }
0xb7: {  	[tilespmem:$0x1FFD0] =	vst v2;
	v2 =	vld [tilespmem:s0+$0x410]  }
0xb8: {  	v49 =	vadd.f32 v28, v27;
	v27 =	vld [tilespmem:$0x1FF10]  }
0xb9: {  	v13 =	vld [tilespmem:s25+$0x430];
	v29 =	vadd.f32 v60, v29  }
0xba: {  	[tilespmem:$0x1FF50] =	vst v7;
	v7 =	vld.idx.msk [tilespmem:v5+s11+$0x0], $0xffff  }
0xbb: {  	v5 =	vld [tilespmem:s23+$0x438];
	v29 =	vadd.f32 v61, v29;
	v21 =	vadd.f32 v46, v21  }
0xbc: {  	v12 =	vld.idx.msk [tilespmem:v12+s11+$0x0], $0xffff  }
0xbd: {  	v29 =	vadd.f32 v47, v29;
	v21 =	vadd.f32 v27, v21;
	v27 =	vld [tilespmem:$0x1FF20]  }
0xbe: {  	[tilespmem:$0x1FFE0] =	vst v2;
	v2 =	vld [tilespmem:s0+$0x20]  }
0xbf: {  	v46 =	vadd.f32 v36, v29;
	v29 =	vld [tilespmem:$0x1FF40]  }
0xc0: {  	v15 =	vld [tilespmem:s25+$0x70]  }
0xc1: {  	v47 =	vld [tilespmem:$0x1FF50]  }
0xc2: {  	v60 =	vld [tilespmem:s26+$0x10];
	v52 =	vmul.f32 v0, v27  }
0xc3: {  	v27 =	vld [tilespmem:$0x1FF30]  }
0xc4: {  	v13 =	vld.idx.msk [tilespmem:v13+s11+$0x0], $0xffff;
	v36 =	vadd.f32 v29, v49;
	v21 =	vadd.f32 v52, v21  }
0xc5: {  	v52 =	vld [tilespmem:$0x1FF70]  }
0xc6: {  	v38 =	vadd.f32 v47, v42;
	v47 =	vadd.f32 v21, v36;
	v21 =	vld [tilespmem:$0x1FF90]  }
0xc7: {  	v61 =	vld [tilespmem:s23+$0x10]  }
0xc8: {  	v16 =	vld [tilespmem:s0+$0x70];
	v20 =	vadd.f32 v27, v20  }
0xc9: {  	p1 =	por !p1, !p1;
	s28 =	simm.s32 $0x1;
	v49 =	vld [tilespmem:$0x1FF60]  }
0xca: {  	s28 =	simm.s32 @!p1 $0x0;
	v45 =	vadd.f32 v52, v20;
	v20 =	vld [tilespmem:$0x1FF80]  }
0xcb: {  	s30 =	sshll.u32 s28, $0x9;
	v6 =	vadd.f32 v21, v6;
	v21 =	vld [tilespmem:$0x1FFA0]  }
0xcc: {  	s24 =	sadd.s32 s30, s22;
	v19 =	vld.idx.msk [tilespmem:v10+s11+$0x0], $0xffff  }
0xcd: {  	s31 =	sor.u32 $0x420, s24;
	v10 =	vld [tilespmem:s23+$0x60]  }
0xce: {  	v22 =	vld [tilespmem:s31+$0x0];
	v42 =	vadd.f32 v49, v31  }
0xcf: {  	v49 =	vmul.f32 v0, v20;
	v20 =	vld.idx.msk [tilespmem:v30+s11+$0x0], $0xffff  }
0xd0: {  	v30 =	vadd.f32 v21, v42;
	v21 =	vld [tilespmem:$0x1FFB0]  }
0xd1: {  	v52 =	vld [tilespmem:$0x1FFC0]  }
0xd2: {  	v45 =	vadd.f32 v49, v45;
	v49 =	vld [tilespmem:$0x1FFD0]  }
0xd3: {  	(xrf2) =	vadd.scan.msk.f32 $0xffff, v46;
	v46 =	vld.idx.msk [tilespmem:v50+s11+$0x0], $0xffff  }
0xd4: {  	s0 =	sor.u32 $0x400, s24;
	v50 =	vld.idx.msk [tilespmem:v48+s11+$0x0], $0xffff  }
0xd5: {  	s28 =	sor.u32 $0x410, s24;
	v28 =	vld [tilespmem:s0+$0x0];
	v42 =	vmul.f32 v0, v21  }
0xd6: {  	s26 =	sor.u32 $0x430, s24;
	s24 =	sor.u32 $0x438, s24;
	v29 =	vld [tilespmem:s28+$0x0];
	v38 =	vadd.f32 v52, v38  }
0xd7: {  	v31 =	vld [tilespmem:s24+$0x0];
	v6 =	vadd.f32 v49, v6;
	v30 =	vadd.f32 v42, v30  }
0xd8: {  	v36 =	vld.idx.msk [tilespmem:v63+s11+$0x0], $0xffff;
	v38 =	vadd.f32 v45, v38  }
0xd9: {  	v27 =	vld [tilespmem:s26+$0x0];
	(xrf2) =	vadd.scan.msk.f32 $0xffff, v47;
	v6 =	vadd.f32 v30, v6  }
0xda: {  	v47 =	vld.idx.msk [tilespmem:v53+s11+$0x0], $0xffff;
	(xrf2) =	vadd.scan.msk.f32 $0xffff, v38  }
0xdb: {  	v52 =	vld [tilespmem:$0x1FFE0];
	(xrf2) =	vadd.scan.msk.f32 $0xffff, v6  }
0xdc: {  	v45 =	vld.idx.msk [tilespmem:v58+s11+$0x0], $0xffff  }
0xdd: {  	v38 =	vld.idx.msk [tilespmem:v44+s11+$0x0], $0xffff  }
0xde: {  	v44 =	vld.idx.msk [tilespmem:v56+s11+$0x0], $0xffff  }
0xdf: {  	v21 =	vld.idx.msk [tilespmem:v35+s11+$0x0], $0xffff  }
0xe0: {  	v49 =	vld.idx.msk [tilespmem:v59+s11+$0x0], $0xffff  }
0xe1: {  	v42 =	vld.idx.msk [tilespmem:v43+s11+$0x0], $0xffff  }
0xe2: {  	s29 =	simm.s32 $0x0;
	v43 =	vld.idx.msk [tilespmem:v2+s11+$0x0], $0xffff;
	v2, _, _ =	vpop (xrf2)  }
0xe3: {  	v63 =	vmov s29;
	v35 =	vld.idx.msk [tilespmem:v52+s11+$0x0], $0xffff;
	v6, _, _ =	vpop (xrf2)  }
0xe4: {  	s30 =	simm.s32 $0x1;
	vm1 =	veq.s32 v63, v1;
	v30 =	vld.idx.msk [tilespmem:v62+s11+$0x0], $0xffff;
	v62, _, _ =	vpop (xrf2)  }
0xe5: {  	v63 =	vmov s30;
	v52 =	vld.idx.msk [tilespmem:v51+s11+$0x0], $0xffff;
	v2 =	vbroadcast v2, $0xF;
	v56 =	vbroadcast v62, $0xF;
	v62, _, _ =	vpop (xrf2)  }
0xe6: {  	s31 =	simm.s32 $0x2;
	v53 =	vimm.f32 $0.0e+00;
	v51 =	vld.idx.msk [tilespmem:v54+s11+$0x0], $0xffff;
	v6 =	vbroadcast v6, $0xF;
	v58 =	vbroadcast v62, $0xF  }
0xe7: {  	s24 =	simm.s32 $0x3;
	v54 =	vld.idx.msk [tilespmem:v55+s11+$0x0], $0xffff;
	v53 =	vsel vm1, v56, v53;
	vm1 =	veq.s32 v63, v1;
	v62 =	vmov s31  }
0xe8: {  	v55 =	vld.idx.msk [tilespmem:v61+s11+$0x0], $0xffff;
	v63 =	vmov s24;
	v48 =	vsel vm1, v58, v53;
	vm1 =	veq.s32 v62, v1  }
0xe9: {  	v53 =	vld.idx.msk [tilespmem:v60+s11+$0x0], $0xffff;
	v6 =	vsel vm1, v6, v48;
	vm1 =	veq.s32 v63, v1  }
0xea: {  	s25 =	simm.s32 $0x400;
	s23 =	sshll.u32 s21, $0x4;
	v48 =	vld.idx.msk [tilespmem:v57+s11+$0x0], $0xffff;
	v6 =	vsel vm1, v2, v6  }
.LBB2_4:
0xeb: {  	p2 =	sne.s32 s25, $0x600;
	v2 =	vld.idx.msk [tilespmem:v32+s11+$0x0], $0xffff  }
0xec: {  	v47 =	vadd.f32 $0.0e+00, v47;
	v32 =	vld.idx.msk [tilespmem:v33+s11+$0x0], $0xffff;
	v33 =	vadd.f32 $0.0e+00, v49  }
0xed: {  	v49 =	vadd.f32 $0.0e+00, v50;
	v50 =	vadd.f32 $0.0e+00, v52;
	v34 =	vld.idx.msk [tilespmem:v34+s11+$0x0], $0xffff  }
0xee: {  	v51 =	vadd.f32 $0.0e+00, v51;
	v52 =	vadd.f32 $0.0e+00, v54;
	v23 =	vld.idx.msk [tilespmem:v23+s11+$0x0], $0xffff  }
0xef: {  	v53 =	vadd.f32 $0.0e+00, v53;
	v54 =	vadd.f32 $0.0e+00, v55;
	v24 =	vld.idx.msk [tilespmem:v24+s11+$0x0], $0xffff  }
0xf0: {  	v43 =	vadd.f32 v43, v47;
	v33 =	vadd.f32 v46, v33;
	v25 =	vld.idx.msk [tilespmem:v25+s11+$0x0], $0xffff  }
0xf1: {  	v8 =	vsel vm0, $0x0, v8;
	v44 =	vadd.f32 v44, v49;
	v45 =	vadd.f32 v45, v50;
	v26 =	vld.idx.msk [tilespmem:v26+s11+$0x0], $0xffff  }
0xf2: {  	v46 =	vadd.f32 v48, v51;
	v2 =	vadd.f32 v2, v52;
	v16 =	vld.idx.msk [tilespmem:v16+s11+$0x0], $0xffff  }
0xf3: {  	v9 =	vsel vm0, $0x0, v9;
	v32 =	vadd.f32 v32, v53;
	v34 =	vadd.f32 v34, v54;
	v10 =	vld.idx.msk [tilespmem:v10+s11+$0x0], $0xffff  }
0xf4: {  	v39 =	vadd.f32 v39, v43;
	v33 =	vadd.f32 v42, v33;
	v15 =	vld.idx.msk [tilespmem:v15+s11+$0x0], $0xffff  }
0xf5: {  	v40 =	vadd.f32 v40, v44;
	v41 =	vadd.f32 v41, v45;
	v17 =	vld.idx.msk [tilespmem:v17+s11+$0x0], $0xffff  }
0xf6: {  	v23 =	vadd.f32 v23, v46;
	v2 =	vadd.f32 v24, v2;
	v8 =	vld.idx.msk [tilespmem:v8+s11+$0x0], $0xffff  }
0xf7: {  	v24 =	vadd.f32 v25, v32;
	v25 =	vsel vm0, $0x0, v31;
	v26 =	vadd.f32 v26, v34;
	v14 =	vld.idx.msk [tilespmem:v14+s11+$0x0], $0xffff  }
0xf8: {  	v31 =	vadd.f32 v36, v39;
	v16 =	vadd.f32 v16, v23;
	v9 =	vld.idx.msk [tilespmem:v9+s11+$0x0], $0xffff  }
0xf9: {  	v32 =	vadd.f32 v37, v33;
	v23 =	vadd.f32 v38, v40;
	v28 =	vld.idx.msk [tilespmem:v28+s11+$0x0], $0xffff  }
0xfa: {  	v5 =	vsel vm0, $0x0, v5;
	v10 =	vadd.f32 v10, v41;
	v16 =	vadd.f32 v35, v16;
	v29 =	vld.idx.msk [tilespmem:v29+s11+$0x0], $0xffff  }
0xfb: {  	v2 =	vadd.f32 v15, v2;
	v17 =	vadd.f32 v17, v24;
	v24 =	vld.idx.msk [tilespmem:v27+s11+$0x0], $0xffff  }
0xfc: {  	v18 =	vadd.f32 v18, v31;
	v16 =	vadd.f32 v19, v16;
	v8 =	vmul.f32 v0, v8;
	v15 =	vld.idx.msk [tilespmem:v25+s11+$0x0], $0xffff  }
0xfd: {  	s26 =	sadd.s32 $0x180, s25;
	s22 =	sadd.s32 $0x400, s22;
	v2 =	vadd.f32 v30, v2;
	v14 =	vadd.f32 v14, v26;
	v4 =	vld.idx.msk [tilespmem:v4+s11+$0x0], $0xffff  }
0xfe: {  	s30 =	sand.u32 $0x7800, s22;
	s26 =	sand.u32 $0x380, s26;
	v18 =	vadd.f32 v11, v18;
	v8 =	vadd.f32 v8, v16;
	v19 =	vld.idx.msk [tilespmem:v22+s11+$0x0], $0xffff  }
0xff: {  	s28 =	sadd.s32 $0x100, s25;
	s26 =	sor.u32 s26, s30;
	v12 =	vadd.f32 v12, v32;
	v2 =	vadd.f32 v13, v2;
	v9 =	vmul.f32 v0, v9;
	v5 =	vld.idx.msk [tilespmem:v5+s11+$0x0], $0xffff  }
0x100: {  	s29 =	sadd.s32 $0x80, s25;
	s28 =	sand.u32 $0x300, s28;
	v13 =	vadd.f32 v29, v17;
	v8 =	vadd.f32 v8, v18;
	v11 =	vld [tilespmem:s26+$0x420]  }
0x101: {  	s31 =	sand.u32 $0x280, s29;
	s29 =	sor.u32 s28, s30;
	v12 =	vadd.f32 v7, v12;
	v2 =	vadd.f32 v9, v2;
	v16 =	vld.idx.msk [tilespmem:v3+s11+$0x0], $0xffff  }
0x102: {  	s28 =	sor.u32 s31, s30;
	v9 =	vadd.f32 v28, v23;
	v13 =	vadd.f32 v24, v13;
	v15 =	vmul.f32 v0, v15;
	v7 =	vld [tilespmem:s29+$0x420];
	(xrf2) =	vadd.scan.msk.f32 $0xffff, v8  }
0x103: {  	v2 =	vadd.f32 v2, v12;
	v4 =	vadd.f32 v4, v14;
	v3 =	vld [tilespmem:s28+$0x420]  }
0x104: {  	v8 =	vadd.f32 v19, v9;
	v9 =	vadd.f32 v15, v13;
	v12 =	vld [tilespmem:s26+$0x400]  }
0x105: {  	v10 =	vadd.f32 v20, v10;
	v4 =	vadd.f32 v21, v4;
	v5 =	vmul.f32 v0, v5;
	v13 =	vld [tilespmem:s26+$0x430];
	(xrf2) =	vadd.scan.msk.f32 $0xffff, v2  }
0x106: {  	v2 =	vadd.f32 v9, v8;
	v20 =	vld [tilespmem:s29+$0x400]  }
0x107: {  	v8 =	vadd.f32 v16, v10;
	v4 =	vadd.f32 v5, v4;
	v21 =	vld [tilespmem:s29+$0x430]  }
0x108: {  	v30 =	vld [tilespmem:s28+$0x400];
	(xrf2) =	vadd.scan.msk.f32 $0xffff, v2  }
0x109: {  	v4 =	vadd.f32 v4, v8;
	v35 =	vld [tilespmem:s28+$0x430]  }
0x10a: {  	v36 =	vld [tilespmem:s26+$0x60]  }
0x10b: {  	v37 =	vld [tilespmem:s26+$0x410];
	(xrf2) =	vadd.scan.msk.f32 $0xffff, v4  }
0x10c: {  	v8 =	vld [tilespmem:s26+$0x438];
	v2, _, _ =	vpop (xrf2)  }
0x10d: {  	v38 =	vld [tilespmem:s29+$0x60]  }
0x10e: {  	s31 =	sand.u32 $0x200, s25;
	v39 =	vld [tilespmem:s29+$0x410]  }
0x10f: {  	s30 =	sor.u32 s31, s30;
	v9 =	vld [tilespmem:s29+$0x438];
	v14, _, _ =	vpop (xrf2)  }
0x110: {  	v40 =	vld [tilespmem:s30+$0x60]  }
0x111: {  	v10 =	vld [tilespmem:s28+$0x60]  }
0x112: {  	v4 =	vld [tilespmem:s28+$0x410];
	v15, _, _ =	vpop (xrf2)  }
0x113: {  	s24 =	sadd.s32 $0x4, s24;
	v5 =	vld [tilespmem:s28+$0x438]  }
0x114: {  	s0 =	sadd.s32 $0xFFFFFFFF, s24;
	s31 =	sadd.s32 $0xFFFFFFFD, s24;
	v18 =	vmov s24;
	v41 =	vld [tilespmem:s26+$0x40]  }
0x115: {  	v22 =	vmov s0;
	v17 =	vmov s31;
	s31 =	sadd.s32 $0xFFFFFFFE, s24;
	v19 =	vbroadcast v15, $0xF;
	v16 =	vld [tilespmem:s26+$0x70];
	v15, _, _ =	vpop (xrf2)  }
0x116: {  	vm1 =	veq.s32 v17, v1;
	v17 =	vmov s31;
	v42 =	vld [tilespmem:s29+$0x40];
	v23 =	vbroadcast v15, $0xF  }
0x117: {  	v14 =	vbroadcast v14, $0xF;
	v6 =	vsel vm1, v19, v6;
	vm1 =	veq.s32 v17, v1;
	v15 =	vld [tilespmem:s29+$0x70]  }
0x118: {  	v2 =	vbroadcast v2, $0xF;
	v43 =	vld [tilespmem:s30+$0x40];
	v6 =	vsel vm1, v23, v6;
	vm1 =	veq.s32 v22, v1  }
0x119: {  	v17 =	vld [tilespmem:s30+$0x70];
	v6 =	vsel vm1, v14, v6;
	vm1 =	veq.s32 v18, v1  }
0x11a: {  	v44 =	vld [tilespmem:s28+$0x40];
	v6 =	vsel vm1, v2, v6  }
0x11b: {  	v14 =	vld [tilespmem:s28+$0x70]  }
0x11c: {  	v2 =	vld [tilespmem:s26+$0x20]  }
0x11d: {  	v23 =	vld [tilespmem:s26+$0x50]  }
0x11e: {  	v45 =	vld [tilespmem:s29+$0x20]  }
0x11f: {  	v24 =	vld [tilespmem:s29+$0x50]  }
0x120: {  	v47 =	vld [tilespmem:s30+$0x20]  }
0x121: {  	v25 =	vld [tilespmem:s30+$0x50]  }
0x122: {  	v48 =	vld [tilespmem:s28+$0x20]  }
0x123: {  	v26 =	vld [tilespmem:s28+$0x50]  }
0x124: {  	v49 =	vld [tilespmem:s26+$0x0]  }
0x125: {  	v56 =	vld [tilespmem:s26+$0x30]  }
0x126: {  	v50 =	vld [tilespmem:s29+$0x0]  }
0x127: {  	v32 =	vld [tilespmem:s29+$0x30]  }
0x128: {  	v51 =	vld [tilespmem:s30+$0x0]  }
0x129: {  	v33 =	vld [tilespmem:s30+$0x30]  }
0x12a: {  	v52 =	vld [tilespmem:s28+$0x0]  }
0x12b: {  	p1 =	por !p1, !p1;
	s0 =	simm.s32 $0x1;
	v34 =	vld [tilespmem:s28+$0x30]  }
0x12c: {  	s0 =	simm.s32 @!p1 $0x0;
	v53 =	vld [tilespmem:s26+$0x10]  }
0x12d: {  	s0 =	sshll.u32 s0, $0x9;
	v54 =	vld [tilespmem:s29+$0x10]  }
0x12e: {  	s0 =	sadd.s32 s0, s22;
	v55 =	vld [tilespmem:s30+$0x10]  }
0x12f: {  	s26 =	sor.u32 $0x420, s0;
	v57 =	vld [tilespmem:s28+$0x10]  }
0x130: {  	s28 =	sor.u32 $0x400, s0;
	v22 =	vld [tilespmem:s26+$0x0]  }
0x131: {  	s26 =	sor.u32 $0x430, s0;
	v28 =	vld [tilespmem:s28+$0x0]  }
0x132: {  	s28 =	sor.u32 $0x410, s0;
	v27 =	vld [tilespmem:s26+$0x0]  }
0x133: {  	s0 =	sor.u32 $0x438, s0;
	v29 =	vld [tilespmem:s28+$0x0]  }
0x134: {  	v31 =	vld [tilespmem:s0+$0x0]  }
0x135: {  	v11 =	vld.idx.msk [tilespmem:v11+s11+$0x0], $0xffff  }
0x136: {  	v7 =	vld.idx.msk [tilespmem:v7+s11+$0x0], $0xffff  }
0x137: {  	v18 =	vld.idx.msk [tilespmem:v12+s11+$0x0], $0xffff  }
0x138: {  	v19 =	vld.idx.msk [tilespmem:v13+s11+$0x0], $0xffff  }
0x139: {  	v12 =	vld.idx.msk [tilespmem:v20+s11+$0x0], $0xffff  }
0x13a: {  	v13 =	vld.idx.msk [tilespmem:v21+s11+$0x0], $0xffff  }
0x13b: {  	v20 =	vld.idx.msk [tilespmem:v30+s11+$0x0], $0xffff  }
0x13c: {  	v21 =	vld.idx.msk [tilespmem:v35+s11+$0x0], $0xffff  }
0x13d: {  	v36 =	vld.idx.msk [tilespmem:v36+s11+$0x0], $0xffff  }
0x13e: {  	v35 =	vld.idx.msk [tilespmem:v37+s11+$0x0], $0xffff  }
0x13f: {  	v37 =	vld.idx.msk [tilespmem:v38+s11+$0x0], $0xffff  }
0x140: {  	v30 =	vld.idx.msk [tilespmem:v39+s11+$0x0], $0xffff  }
0x141: {  	v38 =	vld.idx.msk [tilespmem:v40+s11+$0x0], $0xffff  }
0x142: {  	v39 =	vld.idx.msk [tilespmem:v41+s11+$0x0], $0xffff  }
0x143: {  	v42 =	vld.idx.msk [tilespmem:v42+s11+$0x0], $0xffff  }
0x144: {  	v40 =	vld.idx.msk [tilespmem:v43+s11+$0x0], $0xffff  }
0x145: {  	v41 =	vld.idx.msk [tilespmem:v44+s11+$0x0], $0xffff  }
0x146: {  	v43 =	vld.idx.msk [tilespmem:v2+s11+$0x0], $0xffff  }
0x147: {  	v46 =	vld.idx.msk [tilespmem:v45+s11+$0x0], $0xffff  }
0x148: {  	v44 =	vld.idx.msk [tilespmem:v47+s11+$0x0], $0xffff  }
0x149: {  	v45 =	vld.idx.msk [tilespmem:v48+s11+$0x0], $0xffff  }
0x14a: {  	v47 =	vld.idx.msk [tilespmem:v49+s11+$0x0], $0xffff  }
0x14b: {  	v49 =	vld.idx.msk [tilespmem:v50+s11+$0x0], $0xffff  }
0x14c: {  	v50 =	vld.idx.msk [tilespmem:v51+s11+$0x0], $0xffff  }
0x14d: {  	v52 =	vld.idx.msk [tilespmem:v52+s11+$0x0], $0xffff  }
.Ltmp0:
0x14e: {  	v51 =	vld.idx.msk [tilespmem:v53+s11+$0x0], $0xffff;
	(pc) =	sbr.rel @p2 .LBB2_4-.Ltmp0, $4  }
0x14f: {  	v54 =	vld.idx.msk [tilespmem:v54+s11+$0x0], $0xffff  }
0x150: {  	v53 =	vld.idx.msk [tilespmem:v55+s11+$0x0], $0xffff  }
0x151: {  	v55 =	vld.idx.msk [tilespmem:v57+s11+$0x0], $0xffff  }
0x152: {  	s25 =	sadd.s32 $0x200, s25;
	v48 =	vld.idx.msk [tilespmem:v56+s11+$0x0], $0xffff  }
0x153: {  	_ =	sdelay $0x3  }
0x154: {  	v2 =	vld.idx.msk [tilespmem:v32+s11+$0x0], $0xffff  }
0x155: {  	v33 =	vld.idx.msk [tilespmem:v33+s11+$0x0], $0xffff  }
0x156: {  	v58 =	vadd.f32 $0.0e+00, v49;
	v47 =	vadd.f32 $0.0e+00, v47;
	v34 =	vld.idx.msk [tilespmem:v34+s11+$0x0], $0xffff  }
0x157: {  	v59 =	vadd.f32 $0.0e+00, v50;
	v60 =	vadd.f32 $0.0e+00, v52;
	v23 =	vld.idx.msk [tilespmem:v23+s11+$0x0], $0xffff  }
0x158: {  	v51 =	vadd.f32 $0.0e+00, v51;
	v24 =	vld.idx.msk [tilespmem:v24+s11+$0x0], $0xffff;
	v61 =	vadd.f32 $0.0e+00, v54  }
0x159: {  	v25 =	vld.idx.msk [tilespmem:v25+s11+$0x0], $0xffff;
	v53 =	vadd.f32 $0.0e+00, v53;
	v32 =	vadd.f32 v46, v58  }
0x15a: {  	v26 =	vld.idx.msk [tilespmem:v26+s11+$0x0], $0xffff;
	v43 =	vadd.f32 v43, v47;
	v44 =	vadd.f32 v44, v59  }
0x15b: {  	v16 =	vld.idx.msk [tilespmem:v16+s11+$0x0], $0xffff;
	v45 =	vadd.f32 v45, v60;
	v62 =	vadd.f32 $0.0e+00, v55  }
0x15c: {  	v10 =	vld.idx.msk [tilespmem:v10+s11+$0x0], $0xffff;
	v63 =	vadd.f32 v48, v51;
	v32 =	vadd.f32 v42, v32  }
0x15d: {  	v15 =	vld.idx.msk [tilespmem:v15+s11+$0x0], $0xffff;
	v39 =	vadd.f32 v39, v43;
	v40 =	vadd.f32 v40, v44  }
0x15e: {  	v17 =	vld.idx.msk [tilespmem:v17+s11+$0x0], $0xffff;
	v41 =	vadd.f32 v41, v45;
	v2 =	vadd.f32 v2, v61  }
0x15f: {  	v14 =	vld.idx.msk [tilespmem:v14+s11+$0x0], $0xffff;
	v33 =	vadd.f32 v33, v53;
	v34 =	vadd.f32 v34, v62  }
0x160: {  	v28 =	vld.idx.msk [tilespmem:v28+s11+$0x0], $0xffff;
	v23 =	vadd.f32 v23, v63;
	v45 =	vadd.f32 v36, v39  }
0x161: {  	v8 =	vsel vm0, $0x0, v8;
	v29 =	vld.idx.msk [tilespmem:v29+s11+$0x0], $0xffff;
	v47 =	vadd.f32 v38, v40;
	v32 =	vadd.f32 v37, v32  }
0x162: {  	v9 =	vsel vm0, $0x0, v9;
	v4 =	vld.idx.msk [tilespmem:v4+s11+$0x0], $0xffff;
	v10 =	vadd.f32 v10, v41;
	v2 =	vadd.f32 v24, v2  }
0x163: {  	v50 =	vld.idx.msk [tilespmem:v22+s11+$0x0], $0xffff;
	v46 =	vsel vm0, $0x0, v31;
	v43 =	vadd.f32 v25, v33;
	v44 =	vadd.f32 v26, v34  }
0x164: {  	v5 =	vsel vm0, $0x0, v5;
	v3 =	vld.idx.msk [tilespmem:v3+s11+$0x0], $0xffff;
	v16 =	vadd.f32 v16, v23;
	v18 =	vadd.f32 v18, v45  }
0x165: {  	v48 =	vld.idx.msk [tilespmem:v27+s11+$0x0], $0xffff;
	v12 =	vadd.f32 v12, v32;
	v52 =	vadd.f32 v28, v47  }
0x166: {  	v8 =	vld.idx.msk [tilespmem:v8+s11+$0x0], $0xffff;
	v55 =	vadd.f32 v20, v10;
	v17 =	vadd.f32 v17, v43  }
0x167: {  	v9 =	vld.idx.msk [tilespmem:v9+s11+$0x0], $0xffff;
	v2 =	vadd.f32 v15, v2;
	v14 =	vadd.f32 v14, v44  }
0x168: {  	v49 =	vld.idx.msk [tilespmem:v46+s11+$0x0], $0xffff;
	v16 =	vadd.f32 v35, v16;
	v11 =	vadd.f32 v11, v18  }
0x169: {  	v5 =	vld.idx.msk [tilespmem:v5+s11+$0x0], $0xffff;
	v7 =	vadd.f32 v7, v12;
	v3 =	vadd.f32 v3, v55  }
0x16a: {  	v2 =	vadd.f32 v30, v2;
	v51 =	vadd.f32 v29, v17  }
0x16b: {  	v8 =	vmul.f32 v0, v8;
	v4 =	vadd.f32 v4, v14;
	v16 =	vadd.f32 v19, v16  }
0x16c: {  	v9 =	vmul.f32 v0, v9;
	v2 =	vadd.f32 v13, v2;
	v53 =	vadd.f32 v48, v51  }
0x16d: {  	v54 =	vmul.f32 v0, v49;
	v4 =	vadd.f32 v21, v4;
	v8 =	vadd.f32 v8, v16  }
0x16e: {  	v5 =	vmul.f32 v0, v5;
	v2 =	vadd.f32 v9, v2;
	v9 =	vadd.f32 v50, v52  }
0x16f: {  	v56 =	vadd.f32 v54, v53;
	v8 =	vadd.f32 v8, v11  }
0x170: {  	v4 =	vadd.f32 v5, v4;
	v2 =	vadd.f32 v2, v7  }
0x171: {  	v57 =	vadd.f32 v56, v9;
	(xrf2) =	vadd.scan.msk.f32 $0xffff, v8  }
0x172: {  	(xrf2) =	vadd.scan.msk.f32 $0xffff, v2;
	v2 =	vadd.f32 v4, v3  }
0x173: {  	(xrf2) =	vadd.scan.msk.f32 $0xffff, v57  }
0x174: {  	(xrf2) =	vadd.scan.msk.f32 $0xffff, v2;
	_ =	sdelay $0x6  }
0x175: {  	s0 =	sadd.s32 $0x4, s24;
	v2, _, _ =	vpop (xrf2)  }
0x176: {  	s22 =	sadd.s32 $0xFFFFFFFD, s0;
	v3, _, _ =	vpop (xrf2)  }
0x177: {  	v60 =	vmov s22;
	v58, _, _ =	vpop (xrf2)  }
0x178: {  	s24 =	sadd.s32 $0xFFFFFFFF, s0;
	v59 =	vmov s0;
	s0 =	sadd.s32 $0xFFFFFFFE, s0;
	vm1 =	veq.s32 v60, v1;
	v4 =	vbroadcast v58, $0xF;
	v62, _, _ =	vpop (xrf2)  }
0x179: {  	v61 =	vmov s24;
	v63 =	vmov s0;
	v9 =	vbroadcast v62, $0xF  }
0x17a: {  	v3 =	vbroadcast v3, $0xF;
	v4 =	vsel vm1, v4, v6;
	vm1 =	veq.s32 v63, v1  }
0x17b: {  	v2 =	vbroadcast v2, $0xF;
	v4 =	vsel vm1, v9, v4;
	vm1 =	veq.s32 v61, v1  }
0x17c: {  	v3 =	vsel vm1, v3, v4;
	vm1 =	veq.s32 v59, v1  }
0x17d: {  	v2 =	vsel vm1, v2, v3  }
0x17e: {  	v2 =	vsub.f32 $0.0e+00, v2;
	_ =	sdelay $0x1  }
0x17f: {  	v2 =	vmul.f32 $1.442695020e+00, v2;
	_ =	sdelay $0x1  }
0x180: {  	(erf) = vpow2.f32 v2;
	_ =	sdelay $0x8  }
0x181: {  	v2 =	vpop (erf)  }
0x182: {  	v2 =	vadd.f32 $1.000000000e+00, v2;
	_ =	sdelay $0x1  }
0x183: {  	(erf) = vrcp.f32 v2;
	_ =	sdelay $0x1  }
0x184: {  	v3 =	vld [tilespmem:$0x1FFF0];
	_ =	sdelay $0x1  }
0x185: {  	s21 =	sadd.s32 $0x1, s21  }
0x186: {  	p1 =	sne.s32 s21, $0x8  }
.Ltmp1:
0x187: {  	_ = 	snop;
	(pc) =	sbr.rel @p1 .LBB2_3-.Ltmp1, $3  }
0x188: {  	_ =	sdelay $0x1  }
0x189: {  	v2 =	vpop (erf)  }
0x18a: {  	s20 =	sadd.s32 $0x1000, s20;
	[tilespmem:v3+s23+$0x0 ss:$0x1] =	vst.idx.msk $0xffff, v2  }
0x18b: {  	s0 =	simm.s32 @p0 $0x0  }
0x18c: {  	[tilespmem:s0], [sflag:$0x1] =	stream.linear.gather @p0 [hbm4b:s7+s0], $0x8000, $0x38;
	[tilespmem:$0x10600] =	vst v63  }
0x18d: {  	s31 =	sadd.s32 $0x10480, s18;
	_ =	swait.ge [sflag:s15], $0x8000  }
0x18e: {  	s18 =	simm.s32 $0x0;
	v2 =	vmov s31;
	[sflag:s15] =	ssyncset.done $0x0  }
0x18f: {  	s19 =	simm.s32 $0x0;
	s20 =	simm.s32 $0x0;
	[tilespmem:$0x1FE80] =	vst v2;
	[sflag:s15] =	ssyncadd.s32 $0xFFFF8000  }
.LBB2_7:
0x190: {  	s0 =	sand.u32 $0x7800, s19;
	s21 =	simm.s32 $0x180  }
0x191: {  	s22 =	simm.s32 $0x100;
	s0 =	sor.u32 $0x8000, s0;
	s21 =	sand.u32 $0x380, s21  }
0x192: {  	s23 =	simm.s32 $0x80;
	s22 =	sand.u32 $0x300, s22;
	s21 =	sor.u32 s21, s0  }
0x193: {  	s23 =	sand.u32 $0x280, s23;
	s22 =	sor.u32 s22, s0;
	v4 =	vld [tilespmem:s21+$0x420]  }
0x194: {  	s23 =	sor.u32 s23, s0;
	v8 =	vld [tilespmem:s22+$0x420]  }
0x195: {  	v24 =	vld [tilespmem:s23+$0x420]  }
0x196: {  	v25 =	vld [tilespmem:s21+$0x400]  }
0x197: {  	v7 =	vld [tilespmem:s21+$0x430]  }
0x198: {  	v9 =	vld [tilespmem:s22+$0x400]  }
0x199: {  	v10 =	vld [tilespmem:s22+$0x430]  }
0x19a: {  	v11 =	vld [tilespmem:s23+$0x400]  }
0x19b: {  	v12 =	vld [tilespmem:s23+$0x430]  }
0x19c: {  	v13 =	vld [tilespmem:s21+$0x60]  }
0x19d: {  	v14 =	vld [tilespmem:s21+$0x410]  }
0x19e: {  	v15 =	vld [tilespmem:s21+$0x438]  }
0x19f: {  	v16 =	vld [tilespmem:s22+$0x60]  }
0x1a0: {  	v17 =	vld [tilespmem:s22+$0x410]  }
0x1a1: {  	v18 =	vld [tilespmem:s22+$0x438]  }
0x1a2: {  	v20 =	vld [tilespmem:s23+$0x60]  }
0x1a3: {  	v21 =	vld [tilespmem:s23+$0x410]  }
0x1a4: {  	v22 =	vld [tilespmem:s23+$0x438]  }
0x1a5: {  	s24 =	sand.u32 $0x200, s18;
	v23 =	vld [tilespmem:s21+$0x40]  }
0x1a6: {  	s0 =	sor.u32 s24, s0;
	v30 =	vld [tilespmem:s21+$0x70]  }
0x1a7: {  	v33 =	vld [tilespmem:s0+$0x60]  }
0x1a8: {  	v34 =	vld [tilespmem:s22+$0x40]  }
0x1a9: {  	v36 =	vld [tilespmem:s22+$0x70]  }
0x1aa: {  	v38 =	vld [tilespmem:s23+$0x40]  }
0x1ab: {  	v39 =	vld [tilespmem:s23+$0x70]  }
0x1ac: {  	v41 =	vld [tilespmem:s21+$0x20]  }
0x1ad: {  	v42 =	vld [tilespmem:s21+$0x50]  }
0x1ae: {  	v43 =	vld [tilespmem:s0+$0x40]  }
0x1af: {  	v44 =	vld [tilespmem:s0+$0x70]  }
0x1b0: {  	v45 =	vld [tilespmem:s22+$0x20]  }
0x1b1: {  	v46 =	vld [tilespmem:s22+$0x50]  }
0x1b2: {  	v47 =	vld [tilespmem:s23+$0x20]  }
0x1b3: {  	v48 =	vld [tilespmem:s23+$0x50]  }
0x1b4: {  	v49 =	vld [tilespmem:s21+$0x0]  }
0x1b5: {  	v50 =	vld [tilespmem:s21+$0x30]  }
0x1b6: {  	v51 =	vld [tilespmem:s0+$0x20]  }
0x1b7: {  	v52 =	vld [tilespmem:s0+$0x50]  }
0x1b8: {  	v53 =	vld [tilespmem:s22+$0x0]  }
0x1b9: {  	v54 =	vld [tilespmem:s22+$0x30]  }
0x1ba: {  	v55 =	vld [tilespmem:s23+$0x0]  }
0x1bb: {  	v56 =	vld [tilespmem:s23+$0x30]  }
0x1bc: {  	v57 =	vld [tilespmem:s21+$0x10]  }
0x1bd: {  	p1 =	por $0x0, $0x0;
	v58 =	vld [tilespmem:s0+$0x0];
	s21 =	simm.s32 $0x1  }
0x1be: {  	v59 =	vld [tilespmem:s0+$0x30];
	s21 =	simm.s32 @!p1 $0x0  }
0x1bf: {  	v60 =	vld [tilespmem:s22+$0x10];
	s21 =	sshll.u32 s21, $0x9  }
0x1c0: {  	v61 =	vld [tilespmem:s23+$0x10];
	s21 =	sadd.s32 s21, s19  }
0x1c1: {  	v62 =	vld [tilespmem:s0+$0x10];
	s30 =	sor.u32 $0x420, s21  }
0x1c2: {  	s31 =	sor.u32 $0x400, s21;
	v63 =	vld [tilespmem:s30+$0x8000]  }
0x1c3: {  	s23 =	sor.u32 $0x430, s21;
	v2 =	vld [tilespmem:s31+$0x8000]  }
0x1c4: {  	s24 =	sor.u32 $0x410, s21;
	v3 =	vld [tilespmem:s23+$0x8000]  }
0x1c5: {  	s25 =	sor.u32 $0x438, s21;
	v5 =	vld [tilespmem:s24+$0x8000]  }
0x1c6: {  	v6 =	vld [tilespmem:s25+$0x8000]  }
0x1c7: {  	v8 =	vld.idx.msk [tilespmem:v8+s11+$0x0], $0xffff  }
0x1c8: {  	v7 =	vld.idx.msk [tilespmem:v7+s11+$0x0], $0xffff  }
0x1c9: {  	v35 =	vld.idx.msk [tilespmem:v13+s11+$0x0], $0xffff  }
0x1ca: {  	v40 =	vld.idx.msk [tilespmem:v20+s11+$0x0], $0xffff  }
0x1cb: {  	v31 =	vld.idx.msk [tilespmem:v23+s11+$0x0], $0xffff  }
0x1cc: {  	v23 =	vld.idx.msk [tilespmem:v34+s11+$0x0], $0xffff  }
0x1cd: {  	v34 =	vld.idx.msk [tilespmem:v38+s11+$0x0], $0xffff  }
0x1ce: {  	v41 =	vld.idx.msk [tilespmem:v41+s11+$0x0], $0xffff  }
0x1cf: {  	v38 =	vld.idx.msk [tilespmem:v42+s11+$0x0], $0xffff  }
0x1d0: {  	v47 =	vld.idx.msk [tilespmem:v47+s11+$0x0], $0xffff  }
0x1d1: {  	v49 =	vld.idx.msk [tilespmem:v49+s11+$0x0], $0xffff  }
0x1d2: {  	v50 =	vld.idx.msk [tilespmem:v50+s11+$0x0], $0xffff  }
0x1d3: {  	v53 =	vld.idx.msk [tilespmem:v53+s11+$0x0], $0xffff  }
0x1d4: {  	v55 =	vld.idx.msk [tilespmem:v55+s11+$0x0], $0xffff  }
0x1d5: {  	v57 =	vld.idx.msk [tilespmem:v57+s11+$0x0], $0xffff  }
0x1d6: {  	v58 =	vld.idx.msk [tilespmem:v58+s11+$0x0], $0xffff  }
0x1d7: {  	v60 =	vld.idx.msk [tilespmem:v60+s11+$0x0], $0xffff  }
0x1d8: {  	v61 =	vld.idx.msk [tilespmem:v61+s11+$0x0], $0xffff  }
0x1d9: {  	v62 =	vld.idx.msk [tilespmem:v62+s11+$0x0], $0xffff  }
0x1da: {  	v51 =	vld.idx.msk [tilespmem:v51+s11+$0x0], $0xffff  }
0x1db: {  	v54 =	vld.idx.msk [tilespmem:v54+s11+$0x0], $0xffff  }
0x1dc: {  	v56 =	vld.idx.msk [tilespmem:v56+s11+$0x0], $0xffff  }
0x1dd: {  	v59 =	vld.idx.msk [tilespmem:v59+s11+$0x0], $0xffff  }
0x1de: {  	v42 =	vld.idx.msk [tilespmem:v43+s11+$0x0], $0xffff  }
0x1df: {  	v43 =	vld.idx.msk [tilespmem:v46+s11+$0x0], $0xffff  }
0x1e0: {  	s21 =	sadd.s32 $0x400, s19;
	v46 =	vld.idx.msk [tilespmem:v48+s11+$0x0], $0xffff  }
0x1e1: {  	s29 =	simm.s32 $0x300;
	s26 =	sand.u32 $0x7800, s21;
	v19 =	vld.idx.msk [tilespmem:v36+s11+$0x0], $0xffff  }
0x1e2: {  	s23 =	sand.u32 $0x300, s29;
	s0 =	sor.u32 $0x8000, s26;
	v26 =	vld.idx.msk [tilespmem:v39+s11+$0x0], $0xffff  }
0x1e3: {  	s23 =	sor.u32 s23, s0;
	v27 =	vld.idx.msk [tilespmem:v44+s11+$0x0], $0xffff  }
0x1e4: {  	v13 =	vld [tilespmem:s23+$0x400]  }
0x1e5: {  	v29 =	vld [tilespmem:s23+$0x430]  }
0x1e6: {  	s28 =	simm.s32 $0x380;
	v36 =	vld [tilespmem:s23+$0x60]  }
0x1e7: {  	s22 =	sand.u32 $0x380, s28;
	s25 =	simm.s32 $0x200;
	v39 =	vld [tilespmem:s23+$0x410]  }
0x1e8: {  	s31 =	simm.s32 $0x280;
	s25 =	sand.u32 $0x200, s25;
	s30 =	sor.u32 s22, s0;
	v44 =	vld [tilespmem:s23+$0x40]  }
0x1e9: {  	s22 =	sand.u32 $0x280, s31;
	s25 =	sor.u32 s25, s0;
	v48 =	vld [tilespmem:s30+$0x50]  }
0x1ea: {  	s22 =	sor.u32 s22, s0;
	v20 =	vld [tilespmem:s25+$0x40]  }
0x1eb: {  	v37 =	vld [tilespmem:s22+$0x400]  }
0x1ec: {  	[tilespmem:$0x1FD70] =	vst v8;
	v8 =	vld.idx.msk [tilespmem:v24+s11+$0x0], $0xffff  }
0x1ed: {  	[tilespmem:$0x1FE20] =	vst v7;
	v7 =	vld.idx.msk [tilespmem:v9+s11+$0x0], $0xffff  }
0x1ee: {  	v24 =	vld.idx.msk [tilespmem:v30+s11+$0x0], $0xffff  }
0x1ef: {  	v2 =	vld.idx.msk [tilespmem:v2+s11+$0x0], $0xffff  }
0x1f0: {  	v32 =	vld.idx.msk [tilespmem:v5+s11+$0x0], $0xffff  }
0x1f1: {  	v5 =	vsel vm0, $0x0, v15;
	v15 =	vld [tilespmem:s25+$0x70];
	v30 =	vadd.f32 $0.0e+00, v49  }
0x1f2: {  	v49 =	vld [tilespmem:s23+$0x20]  }
0x1f3: {  	v41 =	vadd.f32 v41, v30;
	v30 =	vadd.f32 $0.0e+00, v58;
	v58 =	vld [tilespmem:s30+$0x0]  }
0x1f4: {  	v29 =	vld.idx.msk [tilespmem:v29+s11+$0x0], $0xffff  }
0x1f5: {  	v9 =	vsel vm0, $0x0, v22;
	v44 =	vld.idx.msk [tilespmem:v44+s11+$0x0], $0xffff  }
0x1f6: {  	v51 =	vadd.f32 v51, v30;
	v30 =	vld [tilespmem:s25+$0x20]  }
0x1f7: {  	[tilespmem:$0x1FDA0] =	vst v8;
	v8 =	vld.idx.msk [tilespmem:v25+s11+$0x0], $0xffff  }
0x1f8: {  	[tilespmem:$0x1FD40] =	vst v7;
	v7 =	vld.idx.msk [tilespmem:v10+s11+$0x0], $0xffff  }
0x1f9: {  	v25 =	vld.idx.msk [tilespmem:v33+s11+$0x0], $0xffff  }
0x1fa: {  	[tilespmem:$0x1FDC0] =	vst v2;
	v2 =	vld.idx.msk [tilespmem:v9+s11+$0x0], $0xffff  }
0x1fb: {  	v31 =	vadd.f32 v31, v41;
	v10 =	vld [tilespmem:s30+$0x400];
	v33 =	vadd.f32 $0.0e+00, v55  }
0x1fc: {  	v55 =	vadd.f32 $0.0e+00, v60;
	v60 =	vadd.f32 $0.0e+00, v61;
	v61 =	vld [tilespmem:s30+$0x30]  }
0x1fd: {  	v31 =	vadd.f32 v35, v31;
	v35 =	vld [tilespmem:s25+$0x30]  }
0x1fe: {  	v33 =	vadd.f32 v47, v33;
	v47 =	vld [tilespmem:s22+$0x20]  }
0x1ff: {  	v54 =	vadd.f32 v54, v55;
	v55 =	vld [tilespmem:s30+$0x10]  }
0x200: {  	v41 =	vadd.f32 v34, v33;
	v33 =	vld [tilespmem:s23+$0x30]  }
0x201: {  	v56 =	vadd.f32 v56, v60;
	v60 =	vadd.f32 v43, v54;
	v54 =	vld [tilespmem:s22+$0x0]  }
0x202: {  	[tilespmem:$0x1FD50] =	vst v7;
	v7 =	vld.idx.msk [tilespmem:v11+s11+$0x0], $0xffff  }
0x203: {  	v6 =	vsel vm0, $0x0, v6;
	[tilespmem:$0x1FDB0] =	vst v2;
	v2 =	vld.idx.msk [tilespmem:v3+s11+$0x0], $0xffff  }
0x204: {  	v34 =	vld [tilespmem:s22+$0x30]  }
0x205: {  	[tilespmem:$0x1FE10] =	vst v8;
	v8 =	vld.idx.msk [tilespmem:v52+s11+$0x0], $0xffff  }
0x206: {  	v3 =	vld [tilespmem:s30+$0x420]  }
0x207: {  	[tilespmem:$0x1FD80] =	vst v7;
	v7 =	vld.idx.msk [tilespmem:v12+s11+$0x0], $0xffff  }
0x208: {  	[tilespmem:$0x1FDD0] =	vst v2;
	v2 =	vld.idx.msk [tilespmem:v6+s11+$0x0], $0xffff  }
0x209: {  	v6 =	vld [tilespmem:s23+$0x420]  }
0x20a: {  	v11 =	vld [tilespmem:s30+$0x430]  }
0x20b: {  	v52 =	vld [tilespmem:s30+$0x40]  }
0x20c: {  	v47 =	vld.idx.msk [tilespmem:v47+s11+$0x0], $0xffff  }
0x20d: {  	[tilespmem:$0x1FD90] =	vst v7;
	v7 =	vld.idx.msk [tilespmem:v16+s11+$0x0], $0xffff  }
0x20e: {  	[tilespmem:$0x1FDE0] =	vst v2;
	v2 =	vld.idx.msk [tilespmem:v14+s11+$0x0], $0xffff  }
0x20f: {  	v14 =	vld [tilespmem:s25+$0x60]  }
0x210: {  	v16 =	vld [tilespmem:s22+$0x70]  }
0x211: {  	v12 =	vld.idx.msk [tilespmem:v6+s11+$0x0], $0xffff  }
0x212: {  	v6 =	vld.idx.msk [tilespmem:v10+s11+$0x0], $0xffff  }
0x213: {  	v10 =	vld [tilespmem:s22+$0x438]  }
0x214: {  	[tilespmem:$0x1FD20] =	vst v7;
	v7 =	vld.idx.msk [tilespmem:v17+s11+$0x0], $0xffff  }
0x215: {  	[tilespmem:$0x1FDF0] =	vst v2;
	v2 =	vld.idx.msk [tilespmem:v63+s11+$0x0], $0xffff  }
0x216: {  	v17 =	vld.idx.msk [tilespmem:v13+s11+$0x0], $0xffff  }
0x217: {  	v63 =	vld [tilespmem:s22+$0x60]  }
0x218: {  	v13 =	vld [tilespmem:s30+$0x70]  }
0x219: {  	v42 =	vadd.f32 v42, v51;
	v51 =	vld [tilespmem:$0x1FD20]  }
0x21a: {  	[tilespmem:$0x1FD30] =	vst v7;
	v7 =	vld.idx.msk [tilespmem:v21+s11+$0x0], $0xffff  }
0x21b: {  	[tilespmem:$0x1FE00] =	vst v2;
	v2 =	vld.idx.msk [tilespmem:v5+s11+$0x0], $0xffff  }
0x21c: {  	v21 =	vld.idx.msk [tilespmem:v45+s11+$0x0], $0xffff  }
0x21d: {  	v5 =	vld [tilespmem:s30+$0x438]  }
0x21e: {  	v45 =	vld [tilespmem:s22+$0x40]  }
0x21f: {  	v19 =	vadd.f32 v19, v60;
	v60 =	vld [tilespmem:$0x1FD30]  }
0x220: {  	[tilespmem:$0x1FE30] =	vst v2;
	v2 =	vld.idx.msk [tilespmem:v4+s11+$0x0], $0xffff  }
0x221: {  	v22 =	vadd.f32 $0.0e+00, v53;
	[tilespmem:$0x1FD60] =	vst v7;
	v7 =	vsel vm0, $0x0, v18;
	v4 =	vld [tilespmem:s30+$0x410]  }
0x222: {  	v18 =	vld [tilespmem:s23+$0x70]  }
0x223: {  	v53 =	vadd.f32 v21, v22;
	v22 =	vadd.f32 $0.0e+00, v57;
	v21 =	vld [tilespmem:s23+$0x50]  }
0x224: {  	v19 =	vadd.f32 v60, v19;
	v60 =	vld [tilespmem:$0x1FDF0]  }
0x225: {  	v57 =	vadd.f32 $0.0e+00, v62;
	v50 =	vadd.f32 v50, v22;
	v22 =	vld [tilespmem:s22+$0x50]  }
0x226: {  	v28 =	vld.idx.msk [tilespmem:v7+s11+$0x0], $0xffff  }
0x227: {  	v62 =	vadd.f32 v59, v57;
	v53 =	vadd.f32 v23, v53;
	v23 =	vld [tilespmem:s25+$0x50]  }
0x228: {  	v57 =	vld [tilespmem:s23+$0x0]  }
0x229: {  	v59 =	vld [tilespmem:s23+$0x10];
	v8 =	vadd.f32 v8, v62  }
0x22a: {  	v62 =	vadd.f32 v46, v56;
	v56 =	vld [tilespmem:s25+$0x0]  }
0x22b: {  	v38 =	vadd.f32 v38, v50;
	v8 =	vadd.f32 v27, v8;
	v27 =	vmul.f32 v0, v28;
	v28 =	vld [tilespmem:$0x1FD60]  }
0x22c: {  	v50 =	vadd.f32 v40, v41;
	v40 =	vld [tilespmem:s22+$0x10]  }
0x22d: {  	p1 =	por !p1, !p1;
	s0 =	simm.s32 $0x1;
	v38 =	vadd.f32 v24, v38;
	v24 =	vadd.f32 v26, v62;
	v26 =	vld [tilespmem:$0x1FD40]  }
0x22e: {  	s0 =	simm.s32 @!p1 $0x0;
	v62 =	vld [tilespmem:$0x1FD50]  }
0x22f: {  	s0 =	sshll.u32 s0, $0x9;
	v41 =	vld [tilespmem:s25+$0x10]  }
0x230: {  	s0 =	sadd.s32 s0, s21;
	v24 =	vadd.f32 v28, v24;
	v28 =	vld [tilespmem:$0x1FD70]  }
0x231: {  	s24 =	sor.u32 $0x420, s0;
	s26 =	sor.u32 $0x430, s0;
	v53 =	vadd.f32 v51, v53;
	v7 =	vld [tilespmem:s22+$0x420]  }
0x232: {  	s28 =	sor.u32 $0x410, s0;
	s25 =	sor.u32 $0x400, s0;
	s0 =	sor.u32 $0x438, s0;
	[tilespmem:$0x1FE60] =	vst v2;
	v2 =	vld [tilespmem:s22+$0x430];
	v8 =	vadd.f32 v32, v8  }
0x233: {  	v32 =	vld [tilespmem:s0+$0x8000];
	v26 =	vadd.f32 v26, v53;
	v19 =	vadd.f32 v62, v19  }
0x234: {  	v38 =	vadd.f32 v60, v38;
	v60 =	vld [tilespmem:$0x1FE60]  }
0x235: {  	v26 =	vadd.f32 v28, v26;
	v28 =	vadd.f32 v27, v19;
	v19 =	vld [tilespmem:$0x1FD80]  }
0x236: {  	v27 =	vld [tilespmem:$0x1FD90]  }
0x237: {  	[tilespmem:$0x1FE40] =	vst v2;
	v2 =	vld [tilespmem:s30+$0x60]  }
0x238: {  	v62 =	vld [tilespmem:$0x1FE00]  }
0x239: {  	v9 =	vld.idx.msk [tilespmem:v7+s11+$0x0], $0xffff  }
0x23a: {  	v26 =	vadd.f32 v28, v26;
	v28 =	vld [tilespmem:$0x1FDC0]  }
0x23b: {  	v46 =	vadd.f32 v19, v50;
	v50 =	vadd.f32 v27, v24;
	v24 =	vld [tilespmem:$0x1FDA0]  }
0x23c: {  	v7 =	vld.idx.msk [tilespmem:v11+s11+$0x0], $0xffff  }
0x23d: {  	v25 =	vadd.f32 v25, v42;
	[tilespmem:$0x1FE50] =	vst v2;
	v2 =	vld [tilespmem:s22+$0x410]  }
0x23e: {  	(xrf2) =	vadd.scan.msk.f32 $0xffff, v26;
	v26 =	vld [tilespmem:$0x1FE20]  }
0x23f: {  	v25 =	vadd.f32 v28, v25;
	v28 =	vld [tilespmem:$0x1FDD0]  }
0x240: {  	v42 =	vadd.f32 v24, v46;
	v24 =	vld [tilespmem:$0x1FDB0]  }
0x241: {  	v11 =	vld [tilespmem:s23+$0x438]  }
0x242: {  	[tilespmem:$0x1FE70] =	vst v2;
	v2 =	vld [tilespmem:s30+$0x20]  }
0x243: {  	v19 =	vld [tilespmem:s24+$0x8000]  }
0x244: {  	v8 =	vadd.f32 v28, v8;
	v28 =	vld [tilespmem:$0x1FDE0]  }
0x245: {  	v46 =	vadd.f32 v26, v38;
	v26 =	vld [tilespmem:$0x1FE30];
	v51 =	vmul.f32 v0, v24  }
0x246: {  	v27 =	vld [tilespmem:s25+$0x8000]  }
0x247: {  	v43 =	vadd.f32 v51, v50;
	v50 =	vadd.f32 v62, v25;
	v25 =	vld [tilespmem:$0x1FE10]  }
0x248: {  	v24 =	vld [tilespmem:s26+$0x8000]  }
0x249: {  	v53 =	vmul.f32 v0, v28;
	v28 =	vld [tilespmem:s28+$0x8000]  }
0x24a: {  	v51 =	vmul.f32 v0, v26;
	v26 =	vld [tilespmem:$0x1FE40]  }
0x24b: {  	v8 =	vadd.f32 v53, v8;
	v53 =	vld [tilespmem:$0x1FE50]  }
0x24c: {  	v42 =	vadd.f32 v43, v42;
	v43 =	vld.idx.msk [tilespmem:v45+s11+$0x0], $0xffff;
	v31 =	vadd.f32 v25, v31  }
0x24d: {  	v62 =	vadd.f32 v51, v46;
	v46 =	vld.idx.msk [tilespmem:v2+s11+$0x0], $0xffff;
	v8 =	vadd.f32 v8, v50  }
0x24e: {  	v45 =	vld.idx.msk [tilespmem:v48+s11+$0x0], $0xffff;
	(xrf2) =	vadd.scan.msk.f32 $0xffff, v42;
	v31 =	vadd.f32 v60, v31  }
0x24f: {  	v48 =	vld.idx.msk [tilespmem:v49+s11+$0x0], $0xffff;
	(xrf2) =	vadd.scan.msk.f32 $0xffff, v8  }
0x250: {  	v49 =	vld.idx.msk [tilespmem:v61+s11+$0x0], $0xffff;
	v8 =	vadd.f32 v62, v31  }
0x251: {  	v51 =	vld.idx.msk [tilespmem:v57+s11+$0x0], $0xffff  }
0x252: {  	v42 =	vld.idx.msk [tilespmem:v52+s11+$0x0], $0xffff;
	(xrf2) =	vadd.scan.msk.f32 $0xffff, v8  }
0x253: {  	v50 =	vld.idx.msk [tilespmem:v58+s11+$0x0], $0xffff  }
0x254: {  	v52 =	vld.idx.msk [tilespmem:v54+s11+$0x0], $0xffff  }
0x255: {  	v31 =	vld [tilespmem:$0x1FE70]  }
0x256: {  	v25 =	vld.idx.msk [tilespmem:v37+s11+$0x0], $0xffff  }
0x257: {  	v2, _, _ =	vpop (xrf2);
	v37 =	vld.idx.msk [tilespmem:v36+s11+$0x0], $0xffff  }
0x258: {  	s30 =	simm.s32 $0x1;
	v36 =	vld.idx.msk [tilespmem:v39+s11+$0x0], $0xffff;
	v8, _, _ =	vpop (xrf2)  }
0x259: {  	s29 =	simm.s32 $0x0;
	v2 =	vbroadcast v2, $0xF;
	v58 =	vmov s30;
	v39 =	vld.idx.msk [tilespmem:v63+s11+$0x0], $0xffff;
	v63, _, _ =	vpop (xrf2)  }
0x25a: {  	s23 =	simm.s32 $0x3;
	v54 =	vld.idx.msk [tilespmem:v56+s11+$0x0], $0xffff;
	v60 =	vimm.f32 $0.0e+00;
	v62 =	vmov s29;
	v63 =	vbroadcast v63, $0xF  }
0x25b: {  	s31 =	simm.s32 $0x2;
	v26 =	vld.idx.msk [tilespmem:v26+s11+$0x0], $0xffff;
	vm1 =	veq.s32 v62, v1;
	v62 =	vmov s23;
	v8 =	vbroadcast v8, $0xF  }
0x25c: {  	v38 =	vld.idx.msk [tilespmem:v53+s11+$0x0], $0xffff;
	v53 =	vsel vm1, v63, v60;
	vm1 =	veq.s32 v58, v1;
	v60 =	vmov s31;
	v61, _, _ =	vpop (xrf2)  }
0x25d: {  	v31 =	vld.idx.msk [tilespmem:v31+s11+$0x0], $0xffff;
	v8 =	vsel vm1, v8, v53;
	vm1 =	veq.s32 v60, v1;
	v63 =	vbroadcast v61, $0xF  }
0x25e: {  	v53 =	vld.idx.msk [tilespmem:v55+s11+$0x0], $0xffff;
	v2 =	vsel vm1, v2, v8;
	vm1 =	veq.s32 v62, v1  }
0x25f: {  	s22 =	sshll.u32 s20, $0x4;
	s24 =	simm.s32 $0x400;
	v55 =	vld.idx.msk [tilespmem:v59+s11+$0x0], $0xffff;
	v8 =	vsel vm1, v63, v2  }
.LBB2_8:
0x260: {  	p2 =	sne.s32 s24, $0x600;
	v2 =	vld.idx.msk [tilespmem:v40+s11+$0x0], $0xffff  }
0x261: {  	v40 =	vld.idx.msk [tilespmem:v41+s11+$0x0], $0xffff  }
0x262: {  	v30 =	vld.idx.msk [tilespmem:v30+s11+$0x0], $0xffff  }
0x263: {  	v33 =	vld.idx.msk [tilespmem:v33+s11+$0x0], $0xffff  }
0x264: {  	v50 =	vadd.f32 $0.0e+00, v50;
	v41 =	vadd.f32 $0.0e+00, v51;
	v34 =	vld.idx.msk [tilespmem:v34+s11+$0x0], $0xffff  }
0x265: {  	v51 =	vadd.f32 $0.0e+00, v52;
	v52 =	vadd.f32 $0.0e+00, v53;
	v35 =	vld.idx.msk [tilespmem:v35+s11+$0x0], $0xffff  }
0x266: {  	v53 =	vadd.f32 $0.0e+00, v54;
	v54 =	vadd.f32 $0.0e+00, v55;
	v20 =	vld.idx.msk [tilespmem:v20+s11+$0x0], $0xffff  }
0x267: {  	v2 =	vadd.f32 $0.0e+00, v2;
	v40 =	vadd.f32 $0.0e+00, v40;
	v21 =	vld.idx.msk [tilespmem:v21+s11+$0x0], $0xffff  }
0x268: {  	v46 =	vadd.f32 v46, v50;
	v41 =	vadd.f32 v48, v41;
	v22 =	vld.idx.msk [tilespmem:v22+s11+$0x0], $0xffff  }
0x269: {  	v11 =	vsel vm0, $0x0, v11;
	v47 =	vadd.f32 v47, v51;
	v48 =	vadd.f32 v49, v52;
	v23 =	vld.idx.msk [tilespmem:v23+s11+$0x0], $0xffff  }
0x26a: {  	v30 =	vadd.f32 v30, v53;
	v33 =	vadd.f32 v33, v54;
	v18 =	vld.idx.msk [tilespmem:v18+s11+$0x0], $0xffff  }
0x26b: {  	v2 =	vadd.f32 v34, v2;
	v35 =	vadd.f32 v35, v40;
	v13 =	vld.idx.msk [tilespmem:v13+s11+$0x0], $0xffff  }
0x26c: {  	v10 =	vsel vm0, $0x0, v10;
	v34 =	vadd.f32 v44, v41;
	v40 =	vadd.f32 v42, v46;
	v14 =	vld.idx.msk [tilespmem:v14+s11+$0x0], $0xffff  }
0x26d: {  	v41 =	vadd.f32 v43, v47;
	v42 =	vadd.f32 v45, v48;
	v16 =	vld.idx.msk [tilespmem:v16+s11+$0x0], $0xffff  }
0x26e: {  	v20 =	vadd.f32 v20, v30;
	v21 =	vadd.f32 v21, v33;
	v11 =	vld.idx.msk [tilespmem:v11+s11+$0x0], $0xffff  }
0x26f: {  	v30 =	vsel vm0, $0x0, v32;
	v2 =	vadd.f32 v22, v2;
	v23 =	vadd.f32 v23, v35;
	v15 =	vld.idx.msk [tilespmem:v15+s11+$0x0], $0xffff  }
0x270: {  	v18 =	vadd.f32 v18, v21;
	v21 =	vadd.f32 v38, v40;
	v22 =	vld.idx.msk [tilespmem:v27+s11+$0x0], $0xffff  }
0x271: {  	v32 =	vadd.f32 v37, v34;
	v27 =	vadd.f32 v39, v41;
	v10 =	vld.idx.msk [tilespmem:v10+s11+$0x0], $0xffff  }
0x272: {  	v5 =	vsel vm0, $0x0, v5;
	v13 =	vadd.f32 v13, v42;
	v18 =	vadd.f32 v36, v18;
	v28 =	vld.idx.msk [tilespmem:v28+s11+$0x0], $0xffff  }
0x273: {  	v14 =	vadd.f32 v14, v20;
	v2 =	vadd.f32 v16, v2;
	v20 =	vld.idx.msk [tilespmem:v24+s11+$0x0], $0xffff  }
0x274: {  	s21 =	sadd.s32 $0x400, s21;
	v17 =	vadd.f32 v17, v32;
	v18 =	vadd.f32 v29, v18;
	v11 =	vmul.f32 v0, v11;
	v16 =	vld.idx.msk [tilespmem:v30+s11+$0x0], $0xffff  }
0x275: {  	s25 =	sadd.s32 $0x180, s24;
	s0 =	sand.u32 $0x7800, s21;
	v15 =	vadd.f32 v15, v23;
	v2 =	vadd.f32 v31, v2;
	v4 =	vld.idx.msk [tilespmem:v4+s11+$0x0], $0xffff  }
0x276: {  	s29 =	sor.u32 $0x8000, s0;
	s0 =	sand.u32 $0x380, s25;
	v12 =	vadd.f32 v12, v17;
	v11 =	vadd.f32 v11, v18;
	v19 =	vld.idx.msk [tilespmem:v19+s11+$0x0], $0xffff  }
0x277: {  	s26 =	sadd.s32 $0x100, s24;
	s25 =	sor.u32 s0, s29;
	v17 =	vadd.f32 v25, v27;
	v2 =	vadd.f32 v26, v2;
	v10 =	vmul.f32 v0, v10;
	v5 =	vld.idx.msk [tilespmem:v5+s11+$0x0], $0xffff  }
0x278: {  	s26 =	sand.u32 $0x300, s26;
	s0 =	sadd.s32 $0x80, s24;
	v15 =	vadd.f32 v28, v15;
	v11 =	vadd.f32 v11, v12;
	v18 =	vld [tilespmem:s25+$0x420]  }
0x279: {  	s26 =	sor.u32 s26, s29;
	s0 =	sand.u32 $0x280, s0;
	v12 =	vadd.f32 v9, v17;
	v2 =	vadd.f32 v10, v2;
	v10 =	vld.idx.msk [tilespmem:v3+s11+$0x0], $0xffff  }
0x27a: {  	s28 =	sor.u32 s0, s29;
	v3 =	vadd.f32 v22, v14;
	v14 =	vadd.f32 v20, v15;
	v15 =	vmul.f32 v0, v16;
	v9 =	vld [tilespmem:s26+$0x420];
	(xrf2) =	vadd.scan.msk.f32 $0xffff, v11  }
0x27b: {  	v2 =	vadd.f32 v2, v12;
	v4 =	vadd.f32 v4, v13;
	v17 =	vld [tilespmem:s28+$0x420]  }
0x27c: {  	v12 =	vadd.f32 v19, v3;
	v11 =	vadd.f32 v15, v14;
	v25 =	vld [tilespmem:s25+$0x400]  }
0x27d: {  	v6 =	vadd.f32 v6, v21;
	v4 =	vadd.f32 v7, v4;
	v5 =	vmul.f32 v0, v5;
	v26 =	vld [tilespmem:s25+$0x430];
	(xrf2) =	vadd.scan.msk.f32 $0xffff, v2  }
0x27e: {  	v2 =	vadd.f32 v11, v12;
	v3 =	vmov v18;
	v29 =	vld [tilespmem:s26+$0x400]  }
0x27f: {  	v6 =	vadd.f32 v10, v6;
	v4 =	vadd.f32 v5, v4;
	v31 =	vld [tilespmem:s26+$0x430]  }
0x280: {  	v36 =	vld [tilespmem:s28+$0x400];
	(xrf2) =	vadd.scan.msk.f32 $0xffff, v2  }
0x281: {  	v6 =	vadd.f32 v4, v6;
	v37 =	vld [tilespmem:s28+$0x430]  }
0x282: {  	v38 =	vld [tilespmem:s25+$0x60]  }
0x283: {  	v4 =	vld [tilespmem:s25+$0x410];
	(xrf2) =	vadd.scan.msk.f32 $0xffff, v6  }
0x284: {  	v5 =	vld [tilespmem:s25+$0x438];
	v2, _, _ =	vpop (xrf2)  }
0x285: {  	v39 =	vld [tilespmem:s26+$0x60]  }
0x286: {  	v42 =	vld [tilespmem:s26+$0x410]  }
0x287: {  	v11 =	vld [tilespmem:s26+$0x438];
	v6, _, _ =	vpop (xrf2)  }
0x288: {  	v43 =	vld [tilespmem:s28+$0x60]  }
0x289: {  	s23 =	sadd.s32 $0x4, s23;
	v44 =	vld [tilespmem:s28+$0x410]  }
0x28a: {  	s30 =	sadd.s32 $0xFFFFFFFF, s23;
	s0 =	sadd.s32 $0xFFFFFFFD, s23;
	v7 =	vmov s23;
	v10 =	vld [tilespmem:s28+$0x438];
	v12, _, _ =	vpop (xrf2)  }
0x28b: {  	s31 =	sand.u32 $0x200, s24;
	v14 =	vmov s0;
	s0 =	sadd.s32 $0xFFFFFFFE, s23;
	v15 =	vmov s30;
	v45 =	vld [tilespmem:s25+$0x40];
	v18 =	vbroadcast v12, $0xF  }
0x28c: {  	s29 =	sor.u32 s31, s29;
	vm1 =	veq.s32 v14, v1;
	v16 =	vmov s0;
	v6 =	vbroadcast v6, $0xF;
	v13 =	vld [tilespmem:s25+$0x70]  }
0x28d: {  	v2 =	vbroadcast v2, $0xF;
	v14 =	vld [tilespmem:s29+$0x60];
	v8 =	vsel vm1, v18, v8;
	vm1 =	veq.s32 v16, v1;
	v12, _, _ =	vpop (xrf2)  }
0x28e: {  	v46 =	vld [tilespmem:s26+$0x40];
	v6 =	vsel vm1, v6, v8;
	vm1 =	veq.s32 v15, v1;
	v8 =	vbroadcast v12, $0xF  }
0x28f: {  	v18 =	vld [tilespmem:s26+$0x70];
	v2 =	vsel vm1, v2, v6;
	vm1 =	veq.s32 v7, v1  }
0x290: {  	v47 =	vld [tilespmem:s28+$0x40];
	v8 =	vsel vm1, v8, v2  }
0x291: {  	v16 =	vld [tilespmem:s28+$0x70]  }
0x292: {  	v2 =	vld [tilespmem:s25+$0x20]  }
0x293: {  	v48 =	vld [tilespmem:s25+$0x50]  }
0x294: {  	v20 =	vld [tilespmem:s29+$0x40]  }
0x295: {  	v15 =	vld [tilespmem:s29+$0x70]  }
0x296: {  	v49 =	vld [tilespmem:s26+$0x20]  }
0x297: {  	v21 =	vld [tilespmem:s26+$0x50]  }
0x298: {  	v50 =	vld [tilespmem:s28+$0x20]  }
0x299: {  	v22 =	vld [tilespmem:s28+$0x50]  }
0x29a: {  	v51 =	vld [tilespmem:s25+$0x0]  }
0x29b: {  	v52 =	vld [tilespmem:s25+$0x30]  }
0x29c: {  	v30 =	vld [tilespmem:s29+$0x20]  }
0x29d: {  	v23 =	vld [tilespmem:s29+$0x50]  }
0x29e: {  	v53 =	vld [tilespmem:s26+$0x0]  }
0x29f: {  	v33 =	vld [tilespmem:s26+$0x30]  }
0x2a0: {  	v54 =	vld [tilespmem:s28+$0x0]  }
0x2a1: {  	v34 =	vld [tilespmem:s28+$0x30]  }
0x2a2: {  	v55 =	vld [tilespmem:s25+$0x10]  }
0x2a3: {  	p1 =	por !p1, !p1;
	s0 =	simm.s32 $0x1;
	v56 =	vld [tilespmem:s29+$0x0]  }
0x2a4: {  	s0 =	simm.s32 @!p1 $0x0;
	v35 =	vld [tilespmem:s29+$0x30]  }
0x2a5: {  	s0 =	sshll.u32 s0, $0x9;
	v57 =	vld [tilespmem:s26+$0x10]  }
0x2a6: {  	s0 =	sadd.s32 s0, s21;
	v40 =	vld [tilespmem:s28+$0x10]  }
0x2a7: {  	s25 =	sor.u32 $0x420, s0;
	v41 =	vld [tilespmem:s29+$0x10]  }
0x2a8: {  	s26 =	sor.u32 $0x400, s0;
	v19 =	vld [tilespmem:s25+$0x8000]  }
0x2a9: {  	s25 =	sor.u32 $0x430, s0;
	v27 =	vld [tilespmem:s26+$0x8000]  }
0x2aa: {  	s26 =	sor.u32 $0x410, s0;
	v24 =	vld [tilespmem:s25+$0x8000]  }
0x2ab: {  	s0 =	sor.u32 $0x438, s0;
	v28 =	vld [tilespmem:s26+$0x8000]  }
0x2ac: {  	v32 =	vld [tilespmem:s0+$0x8000]  }
0x2ad: {  	v12 =	vld.idx.msk [tilespmem:v9+s11+$0x0], $0xffff  }
0x2ae: {  	v9 =	vld.idx.msk [tilespmem:v17+s11+$0x0], $0xffff  }
0x2af: {  	v6 =	vld.idx.msk [tilespmem:v25+s11+$0x0], $0xffff  }
0x2b0: {  	v7 =	vld.idx.msk [tilespmem:v26+s11+$0x0], $0xffff  }
0x2b1: {  	v17 =	vld.idx.msk [tilespmem:v29+s11+$0x0], $0xffff  }
0x2b2: {  	v29 =	vld.idx.msk [tilespmem:v31+s11+$0x0], $0xffff  }
0x2b3: {  	v25 =	vld.idx.msk [tilespmem:v36+s11+$0x0], $0xffff  }
0x2b4: {  	v26 =	vld.idx.msk [tilespmem:v37+s11+$0x0], $0xffff  }
0x2b5: {  	v38 =	vld.idx.msk [tilespmem:v38+s11+$0x0], $0xffff  }
0x2b6: {  	v37 =	vld.idx.msk [tilespmem:v39+s11+$0x0], $0xffff  }
0x2b7: {  	v36 =	vld.idx.msk [tilespmem:v42+s11+$0x0], $0xffff  }
0x2b8: {  	v39 =	vld.idx.msk [tilespmem:v43+s11+$0x0], $0xffff  }
0x2b9: {  	v31 =	vld.idx.msk [tilespmem:v44+s11+$0x0], $0xffff  }
0x2ba: {  	v42 =	vld.idx.msk [tilespmem:v45+s11+$0x0], $0xffff  }
0x2bb: {  	v44 =	vld.idx.msk [tilespmem:v46+s11+$0x0], $0xffff  }
0x2bc: {  	v43 =	vld.idx.msk [tilespmem:v47+s11+$0x0], $0xffff  }
0x2bd: {  	v46 =	vld.idx.msk [tilespmem:v2+s11+$0x0], $0xffff  }
0x2be: {  	v45 =	vld.idx.msk [tilespmem:v48+s11+$0x0], $0xffff  }
0x2bf: {  	v48 =	vld.idx.msk [tilespmem:v49+s11+$0x0], $0xffff  }
0x2c0: {  	v47 =	vld.idx.msk [tilespmem:v50+s11+$0x0], $0xffff  }
0x2c1: {  	v50 =	vld.idx.msk [tilespmem:v51+s11+$0x0], $0xffff  }
0x2c2: {  	v49 =	vld.idx.msk [tilespmem:v52+s11+$0x0], $0xffff  }
.Ltmp2:
0x2c3: {  	v51 =	vld.idx.msk [tilespmem:v53+s11+$0x0], $0xffff;
	(pc) =	sbr.rel @p2 .LBB2_8-.Ltmp2, $4  }
0x2c4: {  	v52 =	vld.idx.msk [tilespmem:v54+s11+$0x0], $0xffff  }
0x2c5: {  	v53 =	vld.idx.msk [tilespmem:v55+s11+$0x0], $0xffff  }
0x2c6: {  	v54 =	vld.idx.msk [tilespmem:v56+s11+$0x0], $0xffff  }
0x2c7: {  	s24 =	sadd.s32 $0x200, s24;
	v55 =	vld.idx.msk [tilespmem:v57+s11+$0x0], $0xffff  }
0x2c8: {  	_ =	sdelay $0x3  }
0x2c9: {  	v2 =	vld.idx.msk [tilespmem:v40+s11+$0x0], $0xffff  }
0x2ca: {  	v60 =	vld.idx.msk [tilespmem:v41+s11+$0x0], $0xffff  }
0x2cb: {  	v30 =	vld.idx.msk [tilespmem:v30+s11+$0x0], $0xffff  }
0x2cc: {  	v33 =	vld.idx.msk [tilespmem:v33+s11+$0x0], $0xffff  }
0x2cd: {  	v61 =	vadd.f32 $0.0e+00, v51;
	v50 =	vadd.f32 $0.0e+00, v50;
	v34 =	vld.idx.msk [tilespmem:v34+s11+$0x0], $0xffff  }
0x2ce: {  	v35 =	vld.idx.msk [tilespmem:v35+s11+$0x0], $0xffff;
	v62 =	vadd.f32 $0.0e+00, v52;
	v63 =	vadd.f32 $0.0e+00, v53  }
0x2cf: {  	v20 =	vld.idx.msk [tilespmem:v20+s11+$0x0], $0xffff;
	v41 =	vadd.f32 v48, v61;
	v46 =	vadd.f32 v46, v50  }
0x2d0: {  	v21 =	vld.idx.msk [tilespmem:v21+s11+$0x0], $0xffff;
	v57 =	vadd.f32 $0.0e+00, v54;
	v47 =	vadd.f32 v47, v62  }
0x2d1: {  	v22 =	vld.idx.msk [tilespmem:v22+s11+$0x0], $0xffff;
	v58 =	vadd.f32 $0.0e+00, v55;
	v59 =	vadd.f32 v49, v63  }
0x2d2: {  	v23 =	vld.idx.msk [tilespmem:v23+s11+$0x0], $0xffff;
	v61 =	vadd.f32 v42, v46;
	v40 =	vadd.f32 $0.0e+00, v60  }
0x2d3: {  	v18 =	vld.idx.msk [tilespmem:v18+s11+$0x0], $0xffff;
	v2 =	vadd.f32 $0.0e+00, v2;
	v30 =	vadd.f32 v30, v57  }
0x2d4: {  	v13 =	vld.idx.msk [tilespmem:v13+s11+$0x0], $0xffff;
	v60 =	vadd.f32 v44, v41;
	v62 =	vadd.f32 v43, v47  }
0x2d5: {  	v14 =	vld.idx.msk [tilespmem:v14+s11+$0x0], $0xffff;
	v33 =	vadd.f32 v33, v58;
	v63 =	vadd.f32 v45, v59  }
0x2d6: {  	v11 =	vsel vm0, $0x0, v11;
	v16 =	vld.idx.msk [tilespmem:v16+s11+$0x0], $0xffff;
	v44 =	vadd.f32 v38, v61;
	v35 =	vadd.f32 v35, v40  }
0x2d7: {  	v10 =	vsel vm0, $0x0, v10;
	v15 =	vld.idx.msk [tilespmem:v15+s11+$0x0], $0xffff;
	v2 =	vadd.f32 v34, v2;
	v20 =	vadd.f32 v20, v30  }
0x2d8: {  	v4 =	vld.idx.msk [tilespmem:v4+s11+$0x0], $0xffff;
	v45 =	vadd.f32 v39, v62;
	v46 =	vadd.f32 v37, v60  }
0x2d9: {  	v27 =	vld.idx.msk [tilespmem:v27+s11+$0x0], $0xffff;
	v43 =	vsel vm0, $0x0, v32;
	v21 =	vadd.f32 v21, v33;
	v13 =	vadd.f32 v13, v63  }
0x2da: {  	v28 =	vld.idx.msk [tilespmem:v28+s11+$0x0], $0xffff;
	v6 =	vadd.f32 v6, v44;
	v23 =	vadd.f32 v23, v35  }
0x2db: {  	v11 =	vld.idx.msk [tilespmem:v11+s11+$0x0], $0xffff;
	v2 =	vadd.f32 v22, v2;
	v14 =	vadd.f32 v14, v20  }
0x2dc: {  	v5 =	vsel vm0, $0x0, v5;
	v10 =	vld.idx.msk [tilespmem:v10+s11+$0x0], $0xffff;
	v17 =	vadd.f32 v17, v46;
	v50 =	vadd.f32 v25, v45  }
0x2dd: {  	v47 =	vld.idx.msk [tilespmem:v24+s11+$0x0], $0xffff;
	v18 =	vadd.f32 v18, v21;
	v4 =	vadd.f32 v4, v13  }
0x2de: {  	v48 =	vld.idx.msk [tilespmem:v43+s11+$0x0], $0xffff;
	v2 =	vadd.f32 v16, v2;
	v15 =	vadd.f32 v15, v23  }
0x2df: {  	v49 =	vld.idx.msk [tilespmem:v19+s11+$0x0], $0xffff;
	v12 =	vadd.f32 v12, v17;
	v18 =	vadd.f32 v36, v18  }
0x2e0: {  	v9 =	vadd.f32 v9, v50;
	v2 =	vadd.f32 v31, v2  }
0x2e1: {  	v5 =	vld.idx.msk [tilespmem:v5+s11+$0x0], $0xffff;
	v11 =	vmul.f32 v0, v11;
	v15 =	vadd.f32 v28, v15;
	v18 =	vadd.f32 v29, v18  }
0x2e2: {  	v10 =	vmul.f32 v0, v10;
	v51 =	vadd.f32 v27, v14;
	v2 =	vadd.f32 v26, v2  }
0x2e3: {  	v3 =	vld.idx.msk [tilespmem:v3+s11+$0x0], $0xffff;
	v52 =	vadd.f32 v47, v15;
	v53 =	vmul.f32 v0, v48;
	v11 =	vadd.f32 v11, v18  }
0x2e4: {  	v54 =	vadd.f32 v49, v51;
	v2 =	vadd.f32 v10, v2  }
0x2e5: {  	v55 =	vadd.f32 v53, v52;
	v11 =	vadd.f32 v11, v12  }
0x2e6: {  	v5 =	vmul.f32 v0, v5;
	v4 =	vadd.f32 v7, v4;
	v2 =	vadd.f32 v2, v9  }
0x2e7: {  	v56 =	vadd.f32 v55, v54;
	(xrf2) =	vadd.scan.msk.f32 $0xffff, v11  }
0x2e8: {  	(xrf2) =	vadd.scan.msk.f32 $0xffff, v2;
	v2 =	vadd.f32 v3, v6;
	v3 =	vadd.f32 v5, v4  }
0x2e9: {  	(xrf2) =	vadd.scan.msk.f32 $0xffff, v56  }
0x2ea: {  	v2 =	vadd.f32 v3, v2;
	_ =	sdelay $0x1  }
0x2eb: {  	(xrf2) =	vadd.scan.msk.f32 $0xffff, v2;
	_ =	sdelay $0x4  }
0x2ec: {  	v2, _, _ =	vpop (xrf2)  }
0x2ed: {  	s0 =	sadd.s32 $0x4, s23;
	v3, _, _ =	vpop (xrf2)  }
0x2ee: {  	s21 =	sadd.s32 $0xFFFFFFFD, s0;
	s23 =	sadd.s32 $0xFFFFFFFF, s0;
	v57 =	vmov s0;
	s0 =	sadd.s32 $0xFFFFFFFE, s0;
	v58, _, _ =	vpop (xrf2)  }
0x2ef: {  	v59 =	vmov s21;
	v61 =	vmov s0;
	v5 =	vbroadcast v58, $0xF  }
0x2f0: {  	v60 =	vmov s23;
	vm1 =	veq.s32 v59, v1;
	v3 =	vbroadcast v3, $0xF  }
0x2f1: {  	v2 =	vbroadcast v2, $0xF;
	v5 =	vsel vm1, v5, v8;
	vm1 =	veq.s32 v61, v1;
	v62, _, _ =	vpop (xrf2)  }
0x2f2: {  	v3 =	vsel vm1, v3, v5;
	vm1 =	veq.s32 v60, v1;
	v63 =	vbroadcast v62, $0xF  }
0x2f3: {  	v2 =	vsel vm1, v2, v3;
	vm1 =	veq.s32 v57, v1  }
0x2f4: {  	v2 =	vsel vm1, v63, v2  }
0x2f5: {  	v2 =	vsub.f32 $0.0e+00, v2;
	_ =	sdelay $0x1  }
0x2f6: {  	v2 =	vmul.f32 $1.442695020e+00, v2;
	_ =	sdelay $0x1  }
0x2f7: {  	(erf) = vpow2.f32 v2;
	_ =	sdelay $0x8  }
0x2f8: {  	v2 =	vpop (erf)  }
0x2f9: {  	v2 =	vadd.f32 $1.000000000e+00, v2;
	_ =	sdelay $0x1  }
0x2fa: {  	(erf) = vrcp.f32 v2;
	_ =	sdelay $0x1  }
0x2fb: {  	v3 =	vld [tilespmem:$0x1FE80];
	_ =	sdelay $0x1  }
0x2fc: {  	s20 =	sadd.s32 $0x1, s20  }
0x2fd: {  	p1 =	sne.s32 s20, $0x8  }
.Ltmp3:
0x2fe: {  	_ = 	snop;
	(pc) =	sbr.rel @p1 .LBB2_7-.Ltmp3, $3  }
0x2ff: {  	_ =	sdelay $0x1  }
0x300: {  	v2 =	vpop (erf)  }
0x301: {  	s19 =	sadd.s32 $0x1000, s19;
	[tilespmem:v3+s22+$0x0 ss:$0x1] =	vst.idx.msk $0xffff, v2  }
.Ltmp4:
0x302: {  	(pc) =	sbr.rel @p0 .LBB2_2-.Ltmp4, $2  }
0x303: {  	_ =	sdelay $0x2  }
0x304: {  	s18 =	simm.s32 $0x400;
	p1 =	por $0x0, $0x0;
	s19 =	smov.u32 s8  }
0x305: {  	s17 =	sadd.s32 $0x1, s17  }
0x306: {  	p0 =	sne.s32 s17, s10  }
.Ltmp5:
0x307: {  	_ = 	snop;
	(pc) =	sbr.rel @p0 .LBB2_1-.Ltmp5, $4  }
0x308: {  	[hbm4b:s9+s2] =	stream.linear.scatter [tilespmem:s16], [sflag:$0x3], $0x200, $0x38;
	[tilespmem:$0x10600] =	vst v63  }
0x309: {  	_ =	swait.ge [sflag:s12], $0x200  }
0x30a: {  	[sflag:s12] =	ssyncset.done $0x0  }
0x30b: {  	[sflag:s12] =	ssyncadd.s32 $0xFFFFFE00  }
0x30c: {  	_ =	sfence.sel $0x180000  }
0x30d: {  	[bflag:$0x0] =	sbarrier.arrive $0xFFFF  }
0x30e: {  	_ =	strace $0x90000047  }
0x30f: {  	[bflag:$0x2] =	sbarrier.arrive $0xFFFF  }
0x310: {  	p0 =	sne.s32 s1, $0x0;
	s0 =	rddreg [dreg:$0x2]  }
0x311: {  	s0 =	sadd.s32 @!p0 $0x100000, s0  }
0x312: {  	[sflag:s0] =	ssyncadd.tile.s32 @!p0 $0x1;
	_ =	shalt  }
.Lfunc_end2:
_tile_overlayer_lowered:
.L_overlay_start_2:
0x313: {  	(tag) =	ssettag $0x2  }
0x314: {  	s0 =	rddreg [dreg:$0x0];
	s2 =	stileid.u32  }
0x315: {  	s1 =	rddreg [dreg:$0x1];
	p0 =	sne.s32 s2, $0x0  }
0x316: {  	s3 =	rddreg [dreg:$0x2];
	[bflag:$0x3] =	sbarrier.arrive $0xFFFF;
	s2 =	simm.s32 @!p0 $0x1C03  }
0x317: {  	[timem:s3], [sflag:s2] =	dma.local @!p0 [hbm:s0], s1  }
0x318: {  	s0 =	simm.s32 @!p0 $0x3  }
0x319: {  	_ =	swait.ge @!p0 [sflag:s0], s1  }
0x31a: {  	s1 =	ssub.s32 @!p0 $0x0, s1;
	[sflag:s0] =	ssyncset.done @!p0 $0x0  }
0x31b: {  	[sflag:s0] =	ssyncadd.s32 @!p0 s1  }
0x31c: {  	[bflag:$0x3] =	sbarrier.arrive $0xFFFF  }
0x31d: {  	_ =	shalt  }

</sc_bundles>
